<compile_context>
chip_gen: v7x
topology: tpu7x:2x2x1
jax: 0.10.2.dev20260603
libtpu: 0.0.44.dev20260713+nightly
codegen_flags: <defaults>
</compile_context>

<pallas_src>
import functools

import jax
import jax.numpy as jnp
from jax import lax
from jax.experimental import pallas as pl
from jax.experimental.pallas import tpu as pltpu
from jax.experimental.pallas import tpu_sc as plsc

_U = 1024
_V = 1024
_L = 64
_HD = 16
_OD = _HD + _L
_N = 524288
_NC = 2
_NS = 16
_NW = _NC * _NS
_CHUNK = 256
_PER_W = _N // _NW
_STEPS = _PER_W // _CHUNK
_GSZ = 128
_NG = _CHUNK // _GSZ
_TB = 2048


def _sc_body(u_hbm, v_hbm, lat_hbm, g_hbm,
             u_buf, v_buf, idx0, idx1, rb0, rb1,
             sem_uv, sem_in0, sem_in1, sem_w0, sem_w1):
  wid = lax.axis_index("s") * _NC + lax.axis_index("c")
  idx_bufs = (idx0, idx1)
  r_bufs = (rb0, rb1)
  sem_in = (sem_in0, sem_in1)
  sem_w = (sem_w0, sem_w1)

  def stage_in(g, p):
    base = wid * _PER_W + g * _CHUNK
    u_cp = pltpu.async_copy(u_hbm.at[pl.ds(base, _CHUNK)], u_buf, sem_uv)
    v_cp = pltpu.async_copy(v_hbm.at[pl.ds(base, _CHUNK)], v_buf, sem_uv)
    u_cp.wait()
    v_cp.wait()
    for j in range(_CHUNK // 16):
      uu = u_buf[pl.ds(j * 16, 16)] * float(_U)
      vv = v_buf[pl.ds(j * 16, 16)] * float(_V)
      iu = jnp.minimum(uu.astype(jnp.int32), _U - 1)
      iv = jnp.minimum(vv.astype(jnp.int32), _V - 1)
      idx_bufs[p][pl.ds(j * 16, 16)] = iu * _V + iv
    for k in range(_NG):
      pltpu.async_copy(
          lat_hbm.at[idx_bufs[p].at[pl.ds(k * _GSZ, _GSZ)]],
          r_bufs[p].at[pl.ds(k * _GSZ, _GSZ)],
          sem_in[p],
      )

  def drain_in(p):
    for k in range(_NG):
      pltpu.make_async_copy(
          lat_hbm.at[pl.ds(0, _GSZ)],
          r_bufs[p].at[pl.ds(k * _GSZ, _GSZ)],
          sem_in[p]).wait()

  def g_dst(g):
    c = wid * _STEPS + g
    b = c // 2
    half = c % 2
    return g_hbm.at[pl.ds(b * _CHUNK, _CHUNK), pl.ds(half * _L, _L)]

  def issue_write(g, p):
    pltpu.async_copy(r_bufs[p], g_dst(g), sem_w[p])

  def drain_write(p):
    pltpu.make_async_copy(r_bufs[p],
                          g_hbm.at[pl.ds(0, _CHUNK), pl.ds(0, _L)],
                          sem_w[p]).wait()

  def half(g2, b):
    g = g2 * 2 + b
    @pl.when(g2 > 0)
    def _():
      drain_write(b)
    stage_in(g, b)
    @pl.when(g > 0)
    def _():
      drain_in(1 - b)
      issue_write(g - 1, 1 - b)

  def step(g2, carry):
    half(g2, 0)
    half(g2, 1)
    return carry

  lax.fori_loop(0, _STEPS // 2, step, 0)
  drain_in(1)
  issue_write(_STEPS - 1, 1)
  drain_write(0)
  drain_write(1)


def _tc_body(g_ref, h_ref, o_ref):
  gi = g_ref[...].view(jnp.uint32)
  hi = (gi >> 16).astype(jnp.uint16)
  lo = gi.astype(jnp.uint16)
  thi = jnp.transpose(hi, (1, 0)).astype(jnp.uint32)
  tlo = jnp.transpose(lo, (1, 0)).astype(jnp.uint32)
  t = ((thi << 16) | tlo).view(jnp.float32)
  o_ref[0:_HD, :] = h_ref[...]
  for k in range(_TB // (2 * _CHUNK)):
    c0 = 2 * _CHUNK * k
    o_ref[_HD:_OD, c0:c0 + _CHUNK] = t[0:_L, _CHUNK * k:_CHUNK * (k + 1)]
    o_ref[_HD:_OD, c0 + _CHUNK:c0 + 2 * _CHUNK] = (
        t[_L:2 * _L, _CHUNK * k:_CHUNK * (k + 1)])


@jax.jit
def _nlb(h, u, v, lat2d):
  mesh = plsc.VectorSubcoreMesh(
      core_axis_name="c", subcore_axis_name="s",
      num_cores=_NC, num_subcores=_NS)
  g128 = pl.kernel(
      _sc_body,
      out_type=jax.ShapeDtypeStruct((_N // 2, 2 * _L), jnp.float32),
      mesh=mesh,
      scratch_types=[
          pltpu.VMEM((_CHUNK,), jnp.float32),
          pltpu.VMEM((_CHUNK,), jnp.float32),
          pltpu.VMEM((_CHUNK,), jnp.int32),
          pltpu.VMEM((_CHUNK,), jnp.int32),
          pltpu.VMEM((_CHUNK, _L), jnp.float32),
          pltpu.VMEM((_CHUNK, _L), jnp.float32),
          pltpu.SemaphoreType.DMA,
          pltpu.SemaphoreType.DMA,
          pltpu.SemaphoreType.DMA,
          pltpu.SemaphoreType.DMA,
          pltpu.SemaphoreType.DMA,
      ],
      compiler_params=pltpu.CompilerParams(use_tc_tiling_on_sc=False),
  )(u, v, lat2d)
  out_t = pl.pallas_call(
      _tc_body,
      grid=(_N // _TB,),
      in_specs=[
          pl.BlockSpec((_TB // 2, 2 * _L), lambda i: (i, 0)),
          pl.BlockSpec((_HD, _TB), lambda i: (0, i)),
      ],
      out_specs=pl.BlockSpec((_OD, _TB), lambda i: (0, i)),
      out_shape=jax.ShapeDtypeStruct((_OD, _N), jnp.float32),
  )(g128, h.T)
  return out_t.T


def kernel(r, h, u, v, latents):
  del r
  return _nlb(h, u, v, latents.reshape(_U * _V, _L))

# --- scband reference (transcript-rebuilt; emitter-appended) ---
"""Pipeline reference for scband-nlb-6021544149407 (READ-ONLY COPY).

The authoritative reference and input builder live on the scoring server;
editing this copy changes nothing except your own understanding.
"""

import jax, jax.numpy as jnp
import numpy as np

U, V, L, N, HDIM = 1024, 1024, 64, 524288, 16


def setup_inputs(seed: int = 0) -> dict:
    key = jax.random.key(seed)
    k1, k2, k3, k4, k5 = jax.random.split(key, 5)
    r = jax.random.normal(k1, (N, 3), dtype=jnp.float32)
    h = jax.random.normal(k2, (N, HDIM), dtype=jnp.float32)
    u = jax.random.uniform(k3, (N,), dtype=jnp.float32)
    v = jax.random.uniform(k4, (N,), dtype=jnp.float32)
    latents = jax.random.normal(k5, (U, V, L), dtype=jnp.float32)
    return {"r": r, "h": h, "u": u, "v": v, "latents": latents}


def reference(r, h, u, v, latents):
    # get_uv_indices: scale normalized uv to texel grid, clamp exact-1.0 edge
    ind_u = u * U
    ind_v = v * V
    ind_u = jnp.where(ind_u == U, U - 1, ind_u)
    ind_v = jnp.where(ind_v == V, V - 1, ind_v)
    iu = jnp.floor(ind_u).astype(jnp.int32)
    iv = jnp.floor(ind_v).astype(jnp.int32)
    # 2D gather from the latent texture: latents[iu, iv] -> [N, L]
    gathered = latents[iu, iv]
    # r is accepted but unused in the original forward
    return jnp.concatenate([h, gathered], axis=-1)

if __name__ == "__main__":
    import jax
    _d = setup_inputs()
    print(jax.jit(kernel)(*tuple(_d.values())))

</pallas_src>

<mosaic_0001>
#map = affine_map<(d0, d1) -> (0)>
#map1 = affine_map<(d0, d1) -> (0, 0)>
module attributes {stable_mosaic.version = 14 : i64} {
  func.func @_sc_body(%arg0: i32, %arg1: i32, %arg2: memref<524288xf32, #tpu.memory_space<hbm>>, %arg3: memref<524288xf32, #tpu.memory_space<hbm>>, %arg4: memref<1048576x64xf32, #tpu.memory_space<hbm>>, %arg5: memref<262144x128xf32, #tpu.memory_space<hbm>>, %arg6: memref<256xf32, #tpu.memory_space<vmem>>, %arg7: memref<256xf32, #tpu.memory_space<vmem>>, %arg8: memref<256xi32, #tpu.memory_space<vmem>>, %arg9: memref<256xi32, #tpu.memory_space<vmem>>, %arg10: memref<256x64xf32, #tpu.memory_space<vmem>>, %arg11: memref<256x64xf32, #tpu.memory_space<vmem>>, %arg12: memref<!tpu.dma_semaphore, #tpu.memory_space<semaphore_mem>>, %arg13: memref<!tpu.dma_semaphore, #tpu.memory_space<semaphore_mem>>, %arg14: memref<!tpu.dma_semaphore, #tpu.memory_space<semaphore_mem>>, %arg15: memref<!tpu.dma_semaphore, #tpu.memory_space<semaphore_mem>>, %arg16: memref<!tpu.dma_semaphore, #tpu.memory_space<semaphore_mem>>) attributes {dimension_semantics = [#tpu.dimension_semantics<core_parallel>, #tpu.dimension_semantics<subcore_parallel>], iteration_bounds = array<i64: 2, 16>, scalar_prefetch = 0 : i64, scratch_operands = 11 : i64, tpu.core_type = #tpu.core_type<sc_vector_subcore>, window_params = [{transform_indices = #map}, {transform_indices = #map}, {transform_indices = #map1}, {transform_indices = #map1}]} {
    %mul3A = arith.constant 2 : i32
    %mul3A_0 = arith.muli %arg1, %mul3A : i32
    %add3A = arith.addi %mul3A_0, %arg0 : i32
    %scan3A = arith.constant 0 : i32
    %scan3A_1 = arith.constant 0 : i32
    %scan3A_2 = arith.constant 32 : i32
    %scan3A_3 = arith.addi %scan3A_1, %scan3A_2 : i32
    %scan3A_4 = arith.constant 1 : i32
    scf.for %scan3A_80 = %scan3A_1 to %scan3A_3 step %scan3A_4  : i32 {
      %mul3A_81 = arith.constant 2 : i32
      %mul3A_82 = arith.muli %scan3A_80, %mul3A_81 : i32
      %add3A_83 = arith.constant 0 : i32
      %add3A_84 = arith.addi %mul3A_82, %add3A_83 : i32
      %gt3A = arith.constant 0 : i32
      %gt3A_85 = arith.cmpi sgt, %scan3A_80, %gt3A : i32
      %convert_element_type3A = arith.extui %gt3A_85 : i1 to i32
      %cond3A = arith.constant 0 : i32
      %cond3A_86 = arith.cmpi ne, %convert_element_type3A, %cond3A : i32
      scf.if %cond3A_86 {
        %dma_wait3A_1057 = arith.constant 0 : i32
        %dma_wait3A_1058 = arith.constant 0 : i32
        %dma_wait3A_1059 = tpu.memref_slice %arg5[%dma_wait3A_1057, %dma_wait3A_1058] : memref<262144x128xf32, #tpu.memory_space<hbm>> -> memref<256x64xf32, #tpu.memory_space<hbm>>
        %dma_wait3A_1060 = arith.constant 0 : i32
        %dma_wait3A_1061 = arith.constant 0 : i32
        %dma_wait3A_1062 = tpu.memref_slice %arg5[%dma_wait3A_1060, %dma_wait3A_1061] : memref<262144x128xf32, #tpu.memory_space<hbm>> -> memref<256x64xf32, #tpu.memory_space<hbm>>
        tpu.wait_dma2 semaphore(%arg15 : memref<!tpu.dma_semaphore, #tpu.memory_space<semaphore_mem>>) src(%arg10 : memref<256x64xf32, #tpu.memory_space<vmem>>) dst(%dma_wait3A_1062 : memref<256x64xf32, #tpu.memory_space<hbm>>)
      } else {
      }
      %mul3A_87 = arith.constant 16384 : i32
      %mul3A_88 = arith.muli %add3A, %mul3A_87 : i32
      %mul3A_89 = arith.constant 256 : i32
      %mul3A_90 = arith.muli %add3A_84, %mul3A_89 : i32
      %add3A_91 = arith.addi %mul3A_88, %mul3A_90 : i32
      %dma_start3A_92 = tpu.memref_slice %arg2[%add3A_91] : memref<524288xf32, #tpu.memory_space<hbm>> -> memref<256xf32, #tpu.memory_space<hbm>>
      %dma_start3A_93 = tpu.memref_slice %arg2[%add3A_91] : memref<524288xf32, #tpu.memory_space<hbm>> -> memref<256xf32, #tpu.memory_space<hbm>>
      tpu.enqueue_dma source(%dma_start3A_93 : memref<256xf32, #tpu.memory_space<hbm>>) target(%arg6 : memref<256xf32, #tpu.memory_space<vmem>>) target_semaphore(%arg12 : memref<!tpu.dma_semaphore, #tpu.memory_space<semaphore_mem>>)
      %dma_start3A_94 = tpu.memref_slice %arg3[%add3A_91] : memref<524288xf32, #tpu.memory_space<hbm>> -> memref<256xf32, #tpu.memory_space<hbm>>
      %dma_start3A_95 = tpu.memref_slice %arg3[%add3A_91] : memref<524288xf32, #tpu.memory_space<hbm>> -> memref<256xf32, #tpu.memory_space<hbm>>
      tpu.enqueue_dma source(%dma_start3A_95 : memref<256xf32, #tpu.memory_space<hbm>>) target(%arg7 : memref<256xf32, #tpu.memory_space<vmem>>) target_semaphore(%arg12 : memref<!tpu.dma_semaphore, #tpu.memory_space<semaphore_mem>>)
      %dma_wait3A_96 = tpu.memref_slice %arg2[%add3A_91] : memref<524288xf32, #tpu.memory_space<hbm>> -> memref<256xf32, #tpu.memory_space<hbm>>
      %dma_wait3A_97 = tpu.memref_slice %arg2[%add3A_91] : memref<524288xf32, #tpu.memory_space<hbm>> -> memref<256xf32, #tpu.memory_space<hbm>>
      tpu.wait_dma2 semaphore(%arg12 : memref<!tpu.dma_semaphore, #tpu.memory_space<semaphore_mem>>) src(%dma_wait3A_97 : memref<256xf32, #tpu.memory_space<hbm>>) dst(%arg6 : memref<256xf32, #tpu.memory_space<vmem>>)
      %dma_wait3A_98 = tpu.memref_slice %arg3[%add3A_91] : memref<524288xf32, #tpu.memory_space<hbm>> -> memref<256xf32, #tpu.memory_space<hbm>>
      %dma_wait3A_99 = tpu.memref_slice %arg3[%add3A_91] : memref<524288xf32, #tpu.memory_space<hbm>> -> memref<256xf32, #tpu.memory_space<hbm>>
      tpu.wait_dma2 semaphore(%arg12 : memref<!tpu.dma_semaphore, #tpu.memory_space<semaphore_mem>>) src(%dma_wait3A_99 : memref<256xf32, #tpu.memory_space<hbm>>) dst(%arg7 : memref<256xf32, #tpu.memory_space<vmem>>)
      %get3A = arith.constant 0 : index
      %get3A_100 = tpu.vector_load %arg6[%get3A] {strides = array<i32>} : memref<256xf32, #tpu.memory_space<vmem>>, vector<16xf32>,
      %get3A_101 = vector.shape_cast %get3A_100 : vector<16xf32> to vector<16xf32>
      %mul3A_102 = arith.constant 1.024000e+03 : f32
      %mul3A_103 = vector.broadcast %mul3A_102 : f32 to vector<16xf32>
      %mul3A_104 = arith.mulf %get3A_101, %mul3A_103 : vector<16xf32>
      %get3A_105 = arith.constant 0 : index
      %get3A_106 = tpu.vector_load %arg7[%get3A_105] {strides = array<i32>} : memref<256xf32, #tpu.memory_space<vmem>>, vector<16xf32>,
      %get3A_107 = vector.shape_cast %get3A_106 : vector<16xf32> to vector<16xf32>
      %mul3A_108 = arith.constant 1.024000e+03 : f32
      %mul3A_109 = vector.broadcast %mul3A_108 : f32 to vector<16xf32>
      %mul3A_110 = arith.mulf %get3A_107, %mul3A_109 : vector<16xf32>
      %convert_element_type3A_111 = arith.fptosi %mul3A_104 : vector<16xf32> to vector<16xi32>
      %min3A = arith.constant 1023 : i32
      %min3A_112 = vector.broadcast %min3A : i32 to vector<16xi32>
      %min3A_113 = arith.minsi %convert_element_type3A_111, %min3A_112 : vector<16xi32>
      %convert_element_type3A_114 = arith.fptosi %mul3A_110 : vector<16xf32> to vector<16xi32>
      %min3A_115 = arith.constant 1023 : i32
      %min3A_116 = vector.broadcast %min3A_115 : i32 to vector<16xi32>
      %min3A_117 = arith.minsi %convert_element_type3A_114, %min3A_116 : vector<16xi32>
      %mul3A_118 = arith.constant 1024 : i32
      %mul3A_119 = vector.broadcast %mul3A_118 : i32 to vector<16xi32>
      %mul3A_120 = arith.muli %min3A_113, %mul3A_119 : vector<16xi32>
      %add3A_121 = arith.addi %mul3A_120, %min3A_117 : vector<16xi32>
      %swap3A = arith.constant 0 : index
      %swap3A_122 = tpu.vector_load %arg8[%swap3A] {strides = array<i32>} : memref<256xi32, #tpu.memory_space<vmem>>, vector<16xi32>,
      %swap3A_123 = vector.shape_cast %swap3A_122 : vector<16xi32> to vector<16xi32>
      %swap3A_124 = vector.shape_cast %add3A_121 : vector<16xi32> to vector<16xi32>
      tpu.vector_store %arg8[%swap3A], %swap3A_124 {strides = array<i32>} : memref<256xi32, #tpu.memory_space<vmem>>, vector<16xi32>,
      %get3A_125 = arith.constant 16 : index
      %get3A_126 = tpu.vector_load %arg6[%get3A_125] {strides = array<i32>} : memref<256xf32, #tpu.memory_space<vmem>>, vector<16xf32>,
      %get3A_127 = vector.shape_cast %get3A_126 : vector<16xf32> to vector<16xf32>
      %mul3A_128 = arith.constant 1.024000e+03 : f32
      %mul3A_129 = vector.broadcast %mul3A_128 : f32 to vector<16xf32>
      %mul3A_130 = arith.mulf %get3A_127, %mul3A_129 : vector<16xf32>
      %get3A_131 = arith.constant 16 : index
      %get3A_132 = tpu.vector_load %arg7[%get3A_131] {strides = array<i32>} : memref<256xf32, #tpu.memory_space<vmem>>, vector<16xf32>,
      %get3A_133 = vector.shape_cast %get3A_132 : vector<16xf32> to vector<16xf32>
      %mul3A_134 = arith.constant 1.024000e+03 : f32
      %mul3A_135 = vector.broadcast %mul3A_134 : f32 to vector<16xf32>
      %mul3A_136 = arith.mulf %get3A_133, %mul3A_135 : vector<16xf32>
      %convert_element_type3A_137 = arith.fptosi %mul3A_130 : vector<16xf32> to vector<16xi32>
      %min3A_138 = arith.constant 1023 : i32
      %min3A_139 = vector.broadcast %min3A_138 : i32 to vector<16xi32>
      %min3A_140 = arith.minsi %convert_element_type3A_137, %min3A_139 : vector<16xi32>
      %convert_element_type3A_141 = arith.fptosi %mul3A_136 : vector<16xf32> to vector<16xi32>
      %min3A_142 = arith.constant 1023 : i32
      %min3A_143 = vector.broadcast %min3A_142 : i32 to vector<16xi32>
      %min3A_144 = arith.minsi %convert_element_type3A_141, %min3A_143 : vector<16xi32>
      %mul3A_145 = arith.constant 1024 : i32
      %mul3A_146 = vector.broadcast %mul3A_145 : i32 to vector<16xi32>
      %mul3A_147 = arith.muli %min3A_140, %mul3A_146 : vector<16xi32>
      %add3A_148 = arith.addi %mul3A_147, %min3A_144 : vector<16xi32>
      %swap3A_149 = arith.constant 16 : index
      %swap3A_150 = tpu.vector_load %arg8[%swap3A_149] {strides = array<i32>} : memref<256xi32, #tpu.memory_space<vmem>>, vector<16xi32>,
      %swap3A_151 = vector.shape_cast %swap3A_150 : vector<16xi32> to vector<16xi32>
      %swap3A_152 = vector.shape_cast %add3A_148 : vector<16xi32> to vector<16xi32>
      tpu.vector_store %arg8[%swap3A_149], %swap3A_152 {strides = array<i32>} : memref<256xi32, #tpu.memory_space<vmem>>, vector<16xi32>,
      %get3A_153 = arith.constant 32 : index
      %get3A_154 = tpu.vector_load %arg6[%get3A_153] {strides = array<i32>} : memref<256xf32, #tpu.memory_space<vmem>>, vector<16xf32>,
      %get3A_155 = vector.shape_cast %get3A_154 : vector<16xf32> to vector<16xf32>
      %mul3A_156 = arith.constant 1.024000e+03 : f32
      %mul3A_157 = vector.broadcast %mul3A_156 : f32 to vector<16xf32>
      %mul3A_158 = arith.mulf %get3A_155, %mul3A_157 : vector<16xf32>
      %get3A_159 = arith.constant 32 : index
      %get3A_160 = tpu.vector_load %arg7[%get3A_159] {strides = array<i32>} : memref<256xf32, #tpu.memory_space<vmem>>, vector<16xf32>,
      %get3A_161 = vector.shape_cast %get3A_160 : vector<16xf32> to vector<16xf32>
      %mul3A_162 = arith.constant 1.024000e+03 : f32
      %mul3A_163 = vector.broadcast %mul3A_162 : f32 to vector<16xf32>
      %mul3A_164 = arith.mulf %get3A_161, %mul3A_163 : vector<16xf32>
      %convert_element_type3A_165 = arith.fptosi %mul3A_158 : vector<16xf32> to vector<16xi32>
      %min3A_166 = arith.constant 1023 : i32
      %min3A_167 = vector.broadcast %min3A_166 : i32 to vector<16xi32>
      %min3A_168 = arith.minsi %convert_element_type3A_165, %min3A_167 : vector<16xi32>
      %convert_element_type3A_169 = arith.fptosi %mul3A_164 : vector<16xf32> to vector<16xi32>
      %min3A_170 = arith.constant 1023 : i32
      %min3A_171 = vector.broadcast %min3A_170 : i32 to vector<16xi32>
      %min3A_172 = arith.minsi %convert_element_type3A_169, %min3A_171 : vector<16xi32>
      %mul3A_173 = arith.constant 1024 : i32
      %mul3A_174 = vector.broadcast %mul3A_173 : i32 to vector<16xi32>
      %mul3A_175 = arith.muli %min3A_168, %mul3A_174 : vector<16xi32>
      %add3A_176 = arith.addi %mul3A_175, %min3A_172 : vector<16xi32>
      %swap3A_177 = arith.constant 32 : index
      %swap3A_178 = tpu.vector_load %arg8[%swap3A_177] {strides = array<i32>} : memref<256xi32, #tpu.memory_space<vmem>>, vector<16xi32>,
      %swap3A_179 = vector.shape_cast %swap3A_178 : vector<16xi32> to vector<16xi32>
      %swap3A_180 = vector.shape_cast %add3A_176 : vector<16xi32> to vector<16xi32>
      tpu.vector_store %arg8[%swap3A_177], %swap3A_180 {strides = array<i32>} : memref<256xi32, #tpu.memory_space<vmem>>, vector<16xi32>,
      %get3A_181 = arith.constant 48 : index
      %get3A_182 = tpu.vector_load %arg6[%get3A_181] {strides = array<i32>} : memref<256xf32, #tpu.memory_space<vmem>>, vector<16xf32>,
      %get3A_183 = vector.shape_cast %get3A_182 : vector<16xf32> to vector<16xf32>
      %mul3A_184 = arith.constant 1.024000e+03 : f32
      %mul3A_185 = vector.broadcast %mul3A_184 : f32 to vector<16xf32>
      %mul3A_186 = arith.mulf %get3A_183, %mul3A_185 : vector<16xf32>
      %get3A_187 = arith.constant 48 : index
      %get3A_188 = tpu.vector_load %arg7[%get3A_187] {strides = array<i32>} : memref<256xf32, #tpu.memory_space<vmem>>, vector<16xf32>,
      %get3A_189 = vector.shape_cast %get3A_188 : vector<16xf32> to vector<16xf32>
      %mul3A_190 = arith.constant 1.024000e+03 : f32
      %mul3A_191 = vector.broadcast %mul3A_190 : f32 to vector<16xf32>
      %mul3A_192 = arith.mulf %get3A_189, %mul3A_191 : vector<16xf32>
      %convert_element_type3A_193 = arith.fptosi %mul3A_186 : vector<16xf32> to vector<16xi32>
      %min3A_194 = arith.constant 1023 : i32
      %min3A_195 = vector.broadcast %min3A_194 : i32 to vector<16xi32>
      %min3A_196 = arith.minsi %convert_element_type3A_193, %min3A_195 : vector<16xi32>
      %convert_element_type3A_197 = arith.fptosi %mul3A_192 : vector<16xf32> to vector<16xi32>
      %min3A_198 = arith.constant 1023 : i32
      %min3A_199 = vector.broadcast %min3A_198 : i32 to vector<16xi32>
      %min3A_200 = arith.minsi %convert_element_type3A_197, %min3A_199 : vector<16xi32>
      %mul3A_201 = arith.constant 1024 : i32
      %mul3A_202 = vector.broadcast %mul3A_201 : i32 to vector<16xi32>
      %mul3A_203 = arith.muli %min3A_196, %mul3A_202 : vector<16xi32>
      %add3A_204 = arith.addi %mul3A_203, %min3A_200 : vector<16xi32>
      %swap3A_205 = arith.constant 48 : index
      %swap3A_206 = tpu.vector_load %arg8[%swap3A_205] {strides = array<i32>} : memref<256xi32, #tpu.memory_space<vmem>>, vector<16xi32>,
      %swap3A_207 = vector.shape_cast %swap3A_206 : vector<16xi32> to vector<16xi32>
      %swap3A_208 = vector.shape_cast %add3A_204 : vector<16xi32> to vector<16xi32>
      tpu.vector_store %arg8[%swap3A_205], %swap3A_208 {strides = array<i32>} : memref<256xi32, #tpu.memory_space<vmem>>, vector<16xi32>,
      %get3A_209 = arith.constant 64 : index
      %get3A_210 = tpu.vector_load %arg6[%get3A_209] {strides = array<i32>} : memref<256xf32, #tpu.memory_space<vmem>>, vector<16xf32>,
      %get3A_211 = vector.shape_cast %get3A_210 : vector<16xf32> to vector<16xf32>
      %mul3A_212 = arith.constant 1.024000e+03 : f32
      %mul3A_213 = vector.broadcast %mul3A_212 : f32 to vector<16xf32>
      %mul3A_214 = arith.mulf %get3A_211, %mul3A_213 : vector<16xf32>
      %get3A_215 = arith.constant 64 : index
      %get3A_216 = tpu.vector_load %arg7[%get3A_215] {strides = array<i32>} : memref<256xf32, #tpu.memory_space<vmem>>, vector<16xf32>,
      %get3A_217 = vector.shape_cast %get3A_216 : vector<16xf32> to vector<16xf32>
      %mul3A_218 = arith.constant 1.024000e+03 : f32
      %mul3A_219 = vector.broadcast %mul3A_218 : f32 to vector<16xf32>
      %mul3A_220 = arith.mulf %get3A_217, %mul3A_219 : vector<16xf32>
      %convert_element_type3A_221 = arith.fptosi %mul3A_214 : vector<16xf32> to vector<16xi32>
      %min3A_222 = arith.constant 1023 : i32
      %min3A_223 = vector.broadcast %min3A_222 : i32 to vector<16xi32>
      %min3A_224 = arith.minsi %convert_element_type3A_221, %min3A_223 : vector<16xi32>
      %convert_element_type3A_225 = arith.fptosi %mul3A_220 : vector<16xf32> to vector<16xi32>
      %min3A_226 = arith.constant 1023 : i32
      %min3A_227 = vector.broadcast %min3A_226 : i32 to vector<16xi32>
      %min3A_228 = arith.minsi %convert_element_type3A_225, %min3A_227 : vector<16xi32>
      %mul3A_229 = arith.constant 1024 : i32
      %mul3A_230 = vector.broadcast %mul3A_229 : i32 to vector<16xi32>
      %mul3A_231 = arith.muli %min3A_224, %mul3A_230 : vector<16xi32>
      %add3A_232 = arith.addi %mul3A_231, %min3A_228 : vector<16xi32>
      %swap3A_233 = arith.constant 64 : index
      %swap3A_234 = tpu.vector_load %arg8[%swap3A_233] {strides = array<i32>} : memref<256xi32, #tpu.memory_space<vmem>>, vector<16xi32>,
      %swap3A_235 = vector.shape_cast %swap3A_234 : vector<16xi32> to vector<16xi32>
      %swap3A_236 = vector.shape_cast %add3A_232 : vector<16xi32> to vector<16xi32>
      tpu.vector_store %arg8[%swap3A_233], %swap3A_236 {strides = array<i32>} : memref<256xi32, #tpu.memory_space<vmem>>, vector<16xi32>,
      %get3A_237 = arith.constant 80 : index
      %get3A_238 = tpu.vector_load %arg6[%get3A_237] {strides = array<i32>} : memref<256xf32, #tpu.memory_space<vmem>>, vector<16xf32>,
      %get3A_239 = vector.shape_cast %get3A_238 : vector<16xf32> to vector<16xf32>
      %mul3A_240 = arith.constant 1.024000e+03 : f32
      %mul3A_241 = vector.broadcast %mul3A_240 : f32 to vector<16xf32>
      %mul3A_242 = arith.mulf %get3A_239, %mul3A_241 : vector<16xf32>
      %get3A_243 = arith.constant 80 : index
      %get3A_244 = tpu.vector_load %arg7[%get3A_243] {strides = array<i32>} : memref<256xf32, #tpu.memory_space<vmem>>, vector<16xf32>,
      %get3A_245 = vector.shape_cast %get3A_244 : vector<16xf32> to vector<16xf32>
      %mul3A_246 = arith.constant 1.024000e+03 : f32
      %mul3A_247 = vector.broadcast %mul3A_246 : f32 to vector<16xf32>
      %mul3A_248 = arith.mulf %get3A_245, %mul3A_247 : vector<16xf32>
      %convert_element_type3A_249 = arith.fptosi %mul3A_242 : vector<16xf32> to vector<16xi32>
      %min3A_250 = arith.constant 1023 : i32
      %min3A_251 = vector.broadcast %min3A_250 : i32 to vector<16xi32>
      %min3A_252 = arith.minsi %convert_element_type3A_249, %min3A_251 : vector<16xi32>
      %convert_element_type3A_253 = arith.fptosi %mul3A_248 : vector<16xf32> to vector<16xi32>
      %min3A_254 = arith.constant 1023 : i32
      %min3A_255 = vector.broadcast %min3A_254 : i32 to vector<16xi32>
      %min3A_256 = arith.minsi %convert_element_type3A_253, %min3A_255 : vector<16xi32>
      %mul3A_257 = arith.constant 1024 : i32
      %mul3A_258 = vector.broadcast %mul3A_257 : i32 to vector<16xi32>
      %mul3A_259 = arith.muli %min3A_252, %mul3A_258 : vector<16xi32>
      %add3A_260 = arith.addi %mul3A_259, %min3A_256 : vector<16xi32>
      %swap3A_261 = arith.constant 80 : index
      %swap3A_262 = tpu.vector_load %arg8[%swap3A_261] {strides = array<i32>} : memref<256xi32, #tpu.memory_space<vmem>>, vector<16xi32>,
      %swap3A_263 = vector.shape_cast %swap3A_262 : vector<16xi32> to vector<16xi32>
      %swap3A_264 = vector.shape_cast %add3A_260 : vector<16xi32> to vector<16xi32>
      tpu.vector_store %arg8[%swap3A_261], %swap3A_264 {strides = array<i32>} : memref<256xi32, #tpu.memory_space<vmem>>, vector<16xi32>,
      %get3A_265 = arith.constant 96 : index
      %get3A_266 = tpu.vector_load %arg6[%get3A_265] {strides = array<i32>} : memref<256xf32, #tpu.memory_space<vmem>>, vector<16xf32>,
      %get3A_267 = vector.shape_cast %get3A_266 : vector<16xf32> to vector<16xf32>
      %mul3A_268 = arith.constant 1.024000e+03 : f32
      %mul3A_269 = vector.broadcast %mul3A_268 : f32 to vector<16xf32>
      %mul3A_270 = arith.mulf %get3A_267, %mul3A_269 : vector<16xf32>
      %get3A_271 = arith.constant 96 : index
      %get3A_272 = tpu.vector_load %arg7[%get3A_271] {strides = array<i32>} : memref<256xf32, #tpu.memory_space<vmem>>, vector<16xf32>,
      %get3A_273 = vector.shape_cast %get3A_272 : vector<16xf32> to vector<16xf32>
      %mul3A_274 = arith.constant 1.024000e+03 : f32
      %mul3A_275 = vector.broadcast %mul3A_274 : f32 to vector<16xf32>
      %mul3A_276 = arith.mulf %get3A_273, %mul3A_275 : vector<16xf32>
      %convert_element_type3A_277 = arith.fptosi %mul3A_270 : vector<16xf32> to vector<16xi32>
      %min3A_278 = arith.constant 1023 : i32
      %min3A_279 = vector.broadcast %min3A_278 : i32 to vector<16xi32>
      %min3A_280 = arith.minsi %convert_element_type3A_277, %min3A_279 : vector<16xi32>
      %convert_element_type3A_281 = arith.fptosi %mul3A_276 : vector<16xf32> to vector<16xi32>
      %min3A_282 = arith.constant 1023 : i32
      %min3A_283 = vector.broadcast %min3A_282 : i32 to vector<16xi32>
      %min3A_284 = arith.minsi %convert_element_type3A_281, %min3A_283 : vector<16xi32>
      %mul3A_285 = arith.constant 1024 : i32
      %mul3A_286 = vector.broadcast %mul3A_285 : i32 to vector<16xi32>
      %mul3A_287 = arith.muli %min3A_280, %mul3A_286 : vector<16xi32>
      %add3A_288 = arith.addi %mul3A_287, %min3A_284 : vector<16xi32>
      %swap3A_289 = arith.constant 96 : index
      %swap3A_290 = tpu.vector_load %arg8[%swap3A_289] {strides = array<i32>} : memref<256xi32, #tpu.memory_space<vmem>>, vector<16xi32>,
      %swap3A_291 = vector.shape_cast %swap3A_290 : vector<16xi32> to vector<16xi32>
      %swap3A_292 = vector.shape_cast %add3A_288 : vector<16xi32> to vector<16xi32>
      tpu.vector_store %arg8[%swap3A_289], %swap3A_292 {strides = array<i32>} : memref<256xi32, #tpu.memory_space<vmem>>, vector<16xi32>,
      %get3A_293 = arith.constant 112 : index
      %get3A_294 = tpu.vector_load %arg6[%get3A_293] {strides = array<i32>} : memref<256xf32, #tpu.memory_space<vmem>>, vector<16xf32>,
      %get3A_295 = vector.shape_cast %get3A_294 : vector<16xf32> to vector<16xf32>
      %mul3A_296 = arith.constant 1.024000e+03 : f32
      %mul3A_297 = vector.broadcast %mul3A_296 : f32 to vector<16xf32>
      %mul3A_298 = arith.mulf %get3A_295, %mul3A_297 : vector<16xf32>
      %get3A_299 = arith.constant 112 : index
      %get3A_300 = tpu.vector_load %arg7[%get3A_299] {strides = array<i32>} : memref<256xf32, #tpu.memory_space<vmem>>, vector<16xf32>,
      %get3A_301 = vector.shape_cast %get3A_300 : vector<16xf32> to vector<16xf32>
      %mul3A_302 = arith.constant 1.024000e+03 : f32
      %mul3A_303 = vector.broadcast %mul3A_302 : f32 to vector<16xf32>
      %mul3A_304 = arith.mulf %get3A_301, %mul3A_303 : vector<16xf32>
      %convert_element_type3A_305 = arith.fptosi %mul3A_298 : vector<16xf32> to vector<16xi32>
      %min3A_306 = arith.constant 1023 : i32
      %min3A_307 = vector.broadcast %min3A_306 : i32 to vector<16xi32>
      %min3A_308 = arith.minsi %convert_element_type3A_305, %min3A_307 : vector<16xi32>
      %convert_element_type3A_309 = arith.fptosi %mul3A_304 : vector<16xf32> to vector<16xi32>
      %min3A_310 = arith.constant 1023 : i32
      %min3A_311 = vector.broadcast %min3A_310 : i32 to vector<16xi32>
      %min3A_312 = arith.minsi %convert_element_type3A_309, %min3A_311 : vector<16xi32>
      %mul3A_313 = arith.constant 1024 : i32
      %mul3A_314 = vector.broadcast %mul3A_313 : i32 to vector<16xi32>
      %mul3A_315 = arith.muli %min3A_308, %mul3A_314 : vector<16xi32>
      %add3A_316 = arith.addi %mul3A_315, %min3A_312 : vector<16xi32>
      %swap3A_317 = arith.constant 112 : index
      %swap3A_318 = tpu.vector_load %arg8[%swap3A_317] {strides = array<i32>} : memref<256xi32, #tpu.memory_space<vmem>>, vector<16xi32>,
      %swap3A_319 = vector.shape_cast %swap3A_318 : vector<16xi32> to vector<16xi32>
      %swap3A_320 = vector.shape_cast %add3A_316 : vector<16xi32> to vector<16xi32>
      tpu.vector_store %arg8[%swap3A_317], %swap3A_320 {strides = array<i32>} : memref<256xi32, #tpu.memory_space<vmem>>, vector<16xi32>,
      %get3A_321 = arith.constant 128 : index
      %get3A_322 = tpu.vector_load %arg6[%get3A_321] {strides = array<i32>} : memref<256xf32, #tpu.memory_space<vmem>>, vector<16xf32>,
      %get3A_323 = vector.shape_cast %get3A_322 : vector<16xf32> to vector<16xf32>
      %mul3A_324 = arith.constant 1.024000e+03 : f32
      %mul3A_325 = vector.broadcast %mul3A_324 : f32 to vector<16xf32>
      %mul3A_326 = arith.mulf %get3A_323, %mul3A_325 : vector<16xf32>
      %get3A_327 = arith.constant 128 : index
      %get3A_328 = tpu.vector_load %arg7[%get3A_327] {strides = array<i32>} : memref<256xf32, #tpu.memory_space<vmem>>, vector<16xf32>,
      %get3A_329 = vector.shape_cast %get3A_328 : vector<16xf32> to vector<16xf32>
      %mul3A_330 = arith.constant 1.024000e+03 : f32
      %mul3A_331 = vector.broadcast %mul3A_330 : f32 to vector<16xf32>
      %mul3A_332 = arith.mulf %get3A_329, %mul3A_331 : vector<16xf32>
      %convert_element_type3A_333 = arith.fptosi %mul3A_326 : vector<16xf32> to vector<16xi32>
      %min3A_334 = arith.constant 1023 : i32
      %min3A_335 = vector.broadcast %min3A_334 : i32 to vector<16xi32>
      %min3A_336 = arith.minsi %convert_element_type3A_333, %min3A_335 : vector<16xi32>
      %convert_element_type3A_337 = arith.fptosi %mul3A_332 : vector<16xf32> to vector<16xi32>
      %min3A_338 = arith.constant 1023 : i32
      %min3A_339 = vector.broadcast %min3A_338 : i32 to vector<16xi32>
      %min3A_340 = arith.minsi %convert_element_type3A_337, %min3A_339 : vector<16xi32>
      %mul3A_341 = arith.constant 1024 : i32
      %mul3A_342 = vector.broadcast %mul3A_341 : i32 to vector<16xi32>
      %mul3A_343 = arith.muli %min3A_336, %mul3A_342 : vector<16xi32>
      %add3A_344 = arith.addi %mul3A_343, %min3A_340 : vector<16xi32>
      %swap3A_345 = arith.constant 128 : index
      %swap3A_346 = tpu.vector_load %arg8[%swap3A_345] {strides = array<i32>} : memref<256xi32, #tpu.memory_space<vmem>>, vector<16xi32>,
      %swap3A_347 = vector.shape_cast %swap3A_346 : vector<16xi32> to vector<16xi32>
      %swap3A_348 = vector.shape_cast %add3A_344 : vector<16xi32> to vector<16xi32>
      tpu.vector_store %arg8[%swap3A_345], %swap3A_348 {strides = array<i32>} : memref<256xi32, #tpu.memory_space<vmem>>, vector<16xi32>,
      %get3A_349 = arith.constant 144 : index
      %get3A_350 = tpu.vector_load %arg6[%get3A_349] {strides = array<i32>} : memref<256xf32, #tpu.memory_space<vmem>>, vector<16xf32>,
      %get3A_351 = vector.shape_cast %get3A_350 : vector<16xf32> to vector<16xf32>
      %mul3A_352 = arith.constant 1.024000e+03 : f32
      %mul3A_353 = vector.broadcast %mul3A_352 : f32 to vector<16xf32>
      %mul3A_354 = arith.mulf %get3A_351, %mul3A_353 : vector<16xf32>
      %get3A_355 = arith.constant 144 : index
      %get3A_356 = tpu.vector_load %arg7[%get3A_355] {strides = array<i32>} : memref<256xf32, #tpu.memory_space<vmem>>, vector<16xf32>,
      %get3A_357 = vector.shape_cast %get3A_356 : vector<16xf32> to vector<16xf32>
      %mul3A_358 = arith.constant 1.024000e+03 : f32
      %mul3A_359 = vector.broadcast %mul3A_358 : f32 to vector<16xf32>
      %mul3A_360 = arith.mulf %get3A_357, %mul3A_359 : vector<16xf32>
      %convert_element_type3A_361 = arith.fptosi %mul3A_354 : vector<16xf32> to vector<16xi32>
      %min3A_362 = arith.constant 1023 : i32
      %min3A_363 = vector.broadcast %min3A_362 : i32 to vector<16xi32>
      %min3A_364 = arith.minsi %convert_element_type3A_361, %min3A_363 : vector<16xi32>
      %convert_element_type3A_365 = arith.fptosi %mul3A_360 : vector<16xf32> to vector<16xi32>
      %min3A_366 = arith.constant 1023 : i32
      %min3A_367 = vector.broadcast %min3A_366 : i32 to vector<16xi32>
      %min3A_368 = arith.minsi %convert_element_type3A_365, %min3A_367 : vector<16xi32>
      %mul3A_369 = arith.constant 1024 : i32
      %mul3A_370 = vector.broadcast %mul3A_369 : i32 to vector<16xi32>
      %mul3A_371 = arith.muli %min3A_364, %mul3A_370 : vector<16xi32>
      %add3A_372 = arith.addi %mul3A_371, %min3A_368 : vector<16xi32>
      %swap3A_373 = arith.constant 144 : index
      %swap3A_374 = tpu.vector_load %arg8[%swap3A_373] {strides = array<i32>} : memref<256xi32, #tpu.memory_space<vmem>>, vector<16xi32>,
      %swap3A_375 = vector.shape_cast %swap3A_374 : vector<16xi32> to vector<16xi32>
      %swap3A_376 = vector.shape_cast %add3A_372 : vector<16xi32> to vector<16xi32>
      tpu.vector_store %arg8[%swap3A_373], %swap3A_376 {strides = array<i32>} : memref<256xi32, #tpu.memory_space<vmem>>, vector<16xi32>,
      %get3A_377 = arith.constant 160 : index
      %get3A_378 = tpu.vector_load %arg6[%get3A_377] {strides = array<i32>} : memref<256xf32, #tpu.memory_space<vmem>>, vector<16xf32>,
      %get3A_379 = vector.shape_cast %get3A_378 : vector<16xf32> to vector<16xf32>
      %mul3A_380 = arith.constant 1.024000e+03 : f32
      %mul3A_381 = vector.broadcast %mul3A_380 : f32 to vector<16xf32>
      %mul3A_382 = arith.mulf %get3A_379, %mul3A_381 : vector<16xf32>
      %get3A_383 = arith.constant 160 : index
      %get3A_384 = tpu.vector_load %arg7[%get3A_383] {strides = array<i32>} : memref<256xf32, #tpu.memory_space<vmem>>, vector<16xf32>,
      %get3A_385 = vector.shape_cast %get3A_384 : vector<16xf32> to vector<16xf32>
      %mul3A_386 = arith.constant 1.024000e+03 : f32
      %mul3A_387 = vector.broadcast %mul3A_386 : f32 to vector<16xf32>
      %mul3A_388 = arith.mulf %get3A_385, %mul3A_387 : vector<16xf32>
      %convert_element_type3A_389 = arith.fptosi %mul3A_382 : vector<16xf32> to vector<16xi32>
      %min3A_390 = arith.constant 1023 : i32
      %min3A_391 = vector.broadcast %min3A_390 : i32 to vector<16xi32>
      %min3A_392 = arith.minsi %convert_element_type3A_389, %min3A_391 : vector<16xi32>
      %convert_element_type3A_393 = arith.fptosi %mul3A_388 : vector<16xf32> to vector<16xi32>
      %min3A_394 = arith.constant 1023 : i32
      %min3A_395 = vector.broadcast %min3A_394 : i32 to vector<16xi32>
      %min3A_396 = arith.minsi %convert_element_type3A_393, %min3A_395 : vector<16xi32>
      %mul3A_397 = arith.constant 1024 : i32
      %mul3A_398 = vector.broadcast %mul3A_397 : i32 to vector<16xi32>
      %mul3A_399 = arith.muli %min3A_392, %mul3A_398 : vector<16xi32>
      %add3A_400 = arith.addi %mul3A_399, %min3A_396 : vector<16xi32>
      %swap3A_401 = arith.constant 160 : index
      %swap3A_402 = tpu.vector_load %arg8[%swap3A_401] {strides = array<i32>} : memref<256xi32, #tpu.memory_space<vmem>>, vector<16xi32>,
      %swap3A_403 = vector.shape_cast %swap3A_402 : vector<16xi32> to vector<16xi32>
      %swap3A_404 = vector.shape_cast %add3A_400 : vector<16xi32> to vector<16xi32>
      tpu.vector_store %arg8[%swap3A_401], %swap3A_404 {strides = array<i32>} : memref<256xi32, #tpu.memory_space<vmem>>, vector<16xi32>,
      %get3A_405 = arith.constant 176 : index
      %get3A_406 = tpu.vector_load %arg6[%get3A_405] {strides = array<i32>} : memref<256xf32, #tpu.memory_space<vmem>>, vector<16xf32>,
      %get3A_407 = vector.shape_cast %get3A_406 : vector<16xf32> to vector<16xf32>
      %mul3A_408 = arith.constant 1.024000e+03 : f32
      %mul3A_409 = vector.broadcast %mul3A_408 : f32 to vector<16xf32>
      %mul3A_410 = arith.mulf %get3A_407, %mul3A_409 : vector<16xf32>
      %get3A_411 = arith.constant 176 : index
      %get3A_412 = tpu.vector_load %arg7[%get3A_411] {strides = array<i32>} : memref<256xf32, #tpu.memory_space<vmem>>, vector<16xf32>,
      %get3A_413 = vector.shape_cast %get3A_412 : vector<16xf32> to vector<16xf32>
      %mul3A_414 = arith.constant 1.024000e+03 : f32
      %mul3A_415 = vector.broadcast %mul3A_414 : f32 to vector<16xf32>
      %mul3A_416 = arith.mulf %get3A_413, %mul3A_415 : vector<16xf32>
      %convert_element_type3A_417 = arith.fptosi %mul3A_410 : vector<16xf32> to vector<16xi32>
      %min3A_418 = arith.constant 1023 : i32
      %min3A_419 = vector.broadcast %min3A_418 : i32 to vector<16xi32>
      %min3A_420 = arith.minsi %convert_element_type3A_417, %min3A_419 : vector<16xi32>
      %convert_element_type3A_421 = arith.fptosi %mul3A_416 : vector<16xf32> to vector<16xi32>
      %min3A_422 = arith.constant 1023 : i32
      %min3A_423 = vector.broadcast %min3A_422 : i32 to vector<16xi32>
      %min3A_424 = arith.minsi %convert_element_type3A_421, %min3A_423 : vector<16xi32>
      %mul3A_425 = arith.constant 1024 : i32
      %mul3A_426 = vector.broadcast %mul3A_425 : i32 to vector<16xi32>
      %mul3A_427 = arith.muli %min3A_420, %mul3A_426 : vector<16xi32>
      %add3A_428 = arith.addi %mul3A_427, %min3A_424 : vector<16xi32>
      %swap3A_429 = arith.constant 176 : index
      %swap3A_430 = tpu.vector_load %arg8[%swap3A_429] {strides = array<i32>} : memref<256xi32, #tpu.memory_space<vmem>>, vector<16xi32>,
      %swap3A_431 = vector.shape_cast %swap3A_430 : vector<16xi32> to vector<16xi32>
      %swap3A_432 = vector.shape_cast %add3A_428 : vector<16xi32> to vector<16xi32>
      tpu.vector_store %arg8[%swap3A_429], %swap3A_432 {strides = array<i32>} : memref<256xi32, #tpu.memory_space<vmem>>, vector<16xi32>,
      %get3A_433 = arith.constant 192 : index
      %get3A_434 = tpu.vector_load %arg6[%get3A_433] {strides = array<i32>} : memref<256xf32, #tpu.memory_space<vmem>>, vector<16xf32>,
      %get3A_435 = vector.shape_cast %get3A_434 : vector<16xf32> to vector<16xf32>
      %mul3A_436 = arith.constant 1.024000e+03 : f32
      %mul3A_437 = vector.broadcast %mul3A_436 : f32 to vector<16xf32>
      %mul3A_438 = arith.mulf %get3A_435, %mul3A_437 : vector<16xf32>
      %get3A_439 = arith.constant 192 : index
      %get3A_440 = tpu.vector_load %arg7[%get3A_439] {strides = array<i32>} : memref<256xf32, #tpu.memory_space<vmem>>, vector<16xf32>,
      %get3A_441 = vector.shape_cast %get3A_440 : vector<16xf32> to vector<16xf32>
      %mul3A_442 = arith.constant 1.024000e+03 : f32
      %mul3A_443 = vector.broadcast %mul3A_442 : f32 to vector<16xf32>
      %mul3A_444 = arith.mulf %get3A_441, %mul3A_443 : vector<16xf32>
      %convert_element_type3A_445 = arith.fptosi %mul3A_438 : vector<16xf32> to vector<16xi32>
      %min3A_446 = arith.constant 1023 : i32
      %min3A_447 = vector.broadcast %min3A_446 : i32 to vector<16xi32>
      %min3A_448 = arith.minsi %convert_element_type3A_445, %min3A_447 : vector<16xi32>
      %convert_element_type3A_449 = arith.fptosi %mul3A_444 : vector<16xf32> to vector<16xi32>
      %min3A_450 = arith.constant 1023 : i32
      %min3A_451 = vector.broadcast %min3A_450 : i32 to vector<16xi32>
      %min3A_452 = arith.minsi %convert_element_type3A_449, %min3A_451 : vector<16xi32>
      %mul3A_453 = arith.constant 1024 : i32
      %mul3A_454 = vector.broadcast %mul3A_453 : i32 to vector<16xi32>
      %mul3A_455 = arith.muli %min3A_448, %mul3A_454 : vector<16xi32>
      %add3A_456 = arith.addi %mul3A_455, %min3A_452 : vector<16xi32>
      %swap3A_457 = arith.constant 192 : index
      %swap3A_458 = tpu.vector_load %arg8[%swap3A_457] {strides = array<i32>} : memref<256xi32, #tpu.memory_space<vmem>>, vector<16xi32>,
      %swap3A_459 = vector.shape_cast %swap3A_458 : vector<16xi32> to vector<16xi32>
      %swap3A_460 = vector.shape_cast %add3A_456 : vector<16xi32> to vector<16xi32>
      tpu.vector_store %arg8[%swap3A_457], %swap3A_460 {strides = array<i32>} : memref<256xi32, #tpu.memory_space<vmem>>, vector<16xi32>,
      %get3A_461 = arith.constant 208 : index
      %get3A_462 = tpu.vector_load %arg6[%get3A_461] {strides = array<i32>} : memref<256xf32, #tpu.memory_space<vmem>>, vector<16xf32>,
      %get3A_463 = vector.shape_cast %get3A_462 : vector<16xf32> to vector<16xf32>
      %mul3A_464 = arith.constant 1.024000e+03 : f32
      %mul3A_465 = vector.broadcast %mul3A_464 : f32 to vector<16xf32>
      %mul3A_466 = arith.mulf %get3A_463, %mul3A_465 : vector<16xf32>
      %get3A_467 = arith.constant 208 : index
      %get3A_468 = tpu.vector_load %arg7[%get3A_467] {strides = array<i32>} : memref<256xf32, #tpu.memory_space<vmem>>, vector<16xf32>,
      %get3A_469 = vector.shape_cast %get3A_468 : vector<16xf32> to vector<16xf32>
      %mul3A_470 = arith.constant 1.024000e+03 : f32
      %mul3A_471 = vector.broadcast %mul3A_470 : f32 to vector<16xf32>
      %mul3A_472 = arith.mulf %get3A_469, %mul3A_471 : vector<16xf32>
      %convert_element_type3A_473 = arith.fptosi %mul3A_466 : vector<16xf32> to vector<16xi32>
      %min3A_474 = arith.constant 1023 : i32
      %min3A_475 = vector.broadcast %min3A_474 : i32 to vector<16xi32>
      %min3A_476 = arith.minsi %convert_element_type3A_473, %min3A_475 : vector<16xi32>
      %convert_element_type3A_477 = arith.fptosi %mul3A_472 : vector<16xf32> to vector<16xi32>
      %min3A_478 = arith.constant 1023 : i32
      %min3A_479 = vector.broadcast %min3A_478 : i32 to vector<16xi32>
      %min3A_480 = arith.minsi %convert_element_type3A_477, %min3A_479 : vector<16xi32>
      %mul3A_481 = arith.constant 1024 : i32
      %mul3A_482 = vector.broadcast %mul3A_481 : i32 to vector<16xi32>
      %mul3A_483 = arith.muli %min3A_476, %mul3A_482 : vector<16xi32>
      %add3A_484 = arith.addi %mul3A_483, %min3A_480 : vector<16xi32>
      %swap3A_485 = arith.constant 208 : index
      %swap3A_486 = tpu.vector_load %arg8[%swap3A_485] {strides = array<i32>} : memref<256xi32, #tpu.memory_space<vmem>>, vector<16xi32>,
      %swap3A_487 = vector.shape_cast %swap3A_486 : vector<16xi32> to vector<16xi32>
      %swap3A_488 = vector.shape_cast %add3A_484 : vector<16xi32> to vector<16xi32>
      tpu.vector_store %arg8[%swap3A_485], %swap3A_488 {strides = array<i32>} : memref<256xi32, #tpu.memory_space<vmem>>, vector<16xi32>,
      %get3A_489 = arith.constant 224 : index
      %get3A_490 = tpu.vector_load %arg6[%get3A_489] {strides = array<i32>} : memref<256xf32, #tpu.memory_space<vmem>>, vector<16xf32>,
      %get3A_491 = vector.shape_cast %get3A_490 : vector<16xf32> to vector<16xf32>
      %mul3A_492 = arith.constant 1.024000e+03 : f32
      %mul3A_493 = vector.broadcast %mul3A_492 : f32 to vector<16xf32>
      %mul3A_494 = arith.mulf %get3A_491, %mul3A_493 : vector<16xf32>
      %get3A_495 = arith.constant 224 : index
      %get3A_496 = tpu.vector_load %arg7[%get3A_495] {strides = array<i32>} : memref<256xf32, #tpu.memory_space<vmem>>, vector<16xf32>,
      %get3A_497 = vector.shape_cast %get3A_496 : vector<16xf32> to vector<16xf32>
      %mul3A_498 = arith.constant 1.024000e+03 : f32
      %mul3A_499 = vector.broadcast %mul3A_498 : f32 to vector<16xf32>
      %mul3A_500 = arith.mulf %get3A_497, %mul3A_499 : vector<16xf32>
      %convert_element_type3A_501 = arith.fptosi %mul3A_494 : vector<16xf32> to vector<16xi32>
      %min3A_502 = arith.constant 1023 : i32
      %min3A_503 = vector.broadcast %min3A_502 : i32 to vector<16xi32>
      %min3A_504 = arith.minsi %convert_element_type3A_501, %min3A_503 : vector<16xi32>
      %convert_element_type3A_505 = arith.fptosi %mul3A_500 : vector<16xf32> to vector<16xi32>
      %min3A_506 = arith.constant 1023 : i32
      %min3A_507 = vector.broadcast %min3A_506 : i32 to vector<16xi32>
      %min3A_508 = arith.minsi %convert_element_type3A_505, %min3A_507 : vector<16xi32>
      %mul3A_509 = arith.constant 1024 : i32
      %mul3A_510 = vector.broadcast %mul3A_509 : i32 to vector<16xi32>
      %mul3A_511 = arith.muli %min3A_504, %mul3A_510 : vector<16xi32>
      %add3A_512 = arith.addi %mul3A_511, %min3A_508 : vector<16xi32>
      %swap3A_513 = arith.constant 224 : index
      %swap3A_514 = tpu.vector_load %arg8[%swap3A_513] {strides = array<i32>} : memref<256xi32, #tpu.memory_space<vmem>>, vector<16xi32>,
      %swap3A_515 = vector.shape_cast %swap3A_514 : vector<16xi32> to vector<16xi32>
      %swap3A_516 = vector.shape_cast %add3A_512 : vector<16xi32> to vector<16xi32>
      tpu.vector_store %arg8[%swap3A_513], %swap3A_516 {strides = array<i32>} : memref<256xi32, #tpu.memory_space<vmem>>, vector<16xi32>,
      %get3A_517 = arith.constant 240 : index
      %get3A_518 = tpu.vector_load %arg6[%get3A_517] {strides = array<i32>} : memref<256xf32, #tpu.memory_space<vmem>>, vector<16xf32>,
      %get3A_519 = vector.shape_cast %get3A_518 : vector<16xf32> to vector<16xf32>
      %mul3A_520 = arith.constant 1.024000e+03 : f32
      %mul3A_521 = vector.broadcast %mul3A_520 : f32 to vector<16xf32>
      %mul3A_522 = arith.mulf %get3A_519, %mul3A_521 : vector<16xf32>
      %get3A_523 = arith.constant 240 : index
      %get3A_524 = tpu.vector_load %arg7[%get3A_523] {strides = array<i32>} : memref<256xf32, #tpu.memory_space<vmem>>, vector<16xf32>,
      %get3A_525 = vector.shape_cast %get3A_524 : vector<16xf32> to vector<16xf32>
      %mul3A_526 = arith.constant 1.024000e+03 : f32
      %mul3A_527 = vector.broadcast %mul3A_526 : f32 to vector<16xf32>
      %mul3A_528 = arith.mulf %get3A_525, %mul3A_527 : vector<16xf32>
      %convert_element_type3A_529 = arith.fptosi %mul3A_522 : vector<16xf32> to vector<16xi32>
      %min3A_530 = arith.constant 1023 : i32
      %min3A_531 = vector.broadcast %min3A_530 : i32 to vector<16xi32>
      %min3A_532 = arith.minsi %convert_element_type3A_529, %min3A_531 : vector<16xi32>
      %convert_element_type3A_533 = arith.fptosi %mul3A_528 : vector<16xf32> to vector<16xi32>
      %min3A_534 = arith.constant 1023 : i32
      %min3A_535 = vector.broadcast %min3A_534 : i32 to vector<16xi32>
      %min3A_536 = arith.minsi %convert_element_type3A_533, %min3A_535 : vector<16xi32>
      %mul3A_537 = arith.constant 1024 : i32
      %mul3A_538 = vector.broadcast %mul3A_537 : i32 to vector<16xi32>
      %mul3A_539 = arith.muli %min3A_532, %mul3A_538 : vector<16xi32>
      %add3A_540 = arith.addi %mul3A_539, %min3A_536 : vector<16xi32>
      %swap3A_541 = arith.constant 240 : index
      %swap3A_542 = tpu.vector_load %arg8[%swap3A_541] {strides = array<i32>} : memref<256xi32, #tpu.memory_space<vmem>>, vector<16xi32>,
      %swap3A_543 = vector.shape_cast %swap3A_542 : vector<16xi32> to vector<16xi32>
      %swap3A_544 = vector.shape_cast %add3A_540 : vector<16xi32> to vector<16xi32>
      tpu.vector_store %arg8[%swap3A_541], %swap3A_544 {strides = array<i32>} : memref<256xi32, #tpu.memory_space<vmem>>, vector<16xi32>,
      %dma_start3A_545 = arith.constant 0 : i32
      %dma_start3A_546 = arith.constant 0 : i32
      %dma_start3A_547 = tpu.memref_slice %arg10[%dma_start3A_545, %dma_start3A_546] : memref<256x64xf32, #tpu.memory_space<vmem>> -> memref<128x64xf32, #tpu.memory_space<vmem>>
      %dma_start3A_548 = arith.constant 0 : i32
      %dma_start3A_549 = tpu.memref_slice %arg8[%dma_start3A_548] : memref<256xi32, #tpu.memory_space<vmem>> -> memref<128xi32, #tpu.memory_space<vmem>>
      %dma_start3A_550 = arith.constant 0 : i32
      %dma_start3A_551 = arith.constant 0 : i32
      %dma_start3A_552 = tpu.memref_slice %arg4[%dma_start3A_550, %dma_start3A_551] : memref<1048576x64xf32, #tpu.memory_space<hbm>> -> memref<1048576x64xf32, #tpu.memory_space<hbm>>
      tpu.enqueue_indirect_dma source(%dma_start3A_552 : memref<1048576x64xf32, #tpu.memory_space<hbm>>) target(%dma_start3A_547 : memref<128x64xf32, #tpu.memory_space<vmem>>) offsets(%dma_start3A_549 : memref<128xi32, #tpu.memory_space<vmem>>) semaphore(%arg13 : memref<!tpu.dma_semaphore, #tpu.memory_space<semaphore_mem>>)
      %dma_start3A_553 = arith.constant 128 : i32
      %dma_start3A_554 = arith.constant 0 : i32
      %dma_start3A_555 = tpu.memref_slice %arg10[%dma_start3A_553, %dma_start3A_554] : memref<256x64xf32, #tpu.memory_space<vmem>> -> memref<128x64xf32, #tpu.memory_space<vmem>>
      %dma_start3A_556 = arith.constant 128 : i32
      %dma_start3A_557 = tpu.memref_slice %arg8[%dma_start3A_556] : memref<256xi32, #tpu.memory_space<vmem>> -> memref<128xi32, #tpu.memory_space<vmem>>
      %dma_start3A_558 = arith.constant 0 : i32
      %dma_start3A_559 = arith.constant 0 : i32
      %dma_start3A_560 = tpu.memref_slice %arg4[%dma_start3A_558, %dma_start3A_559] : memref<1048576x64xf32, #tpu.memory_space<hbm>> -> memref<1048576x64xf32, #tpu.memory_space<hbm>>
      tpu.enqueue_indirect_dma source(%dma_start3A_560 : memref<1048576x64xf32, #tpu.memory_space<hbm>>) target(%dma_start3A_555 : memref<128x64xf32, #tpu.memory_space<vmem>>) offsets(%dma_start3A_557 : memref<128xi32, #tpu.memory_space<vmem>>) semaphore(%arg13 : memref<!tpu.dma_semaphore, #tpu.memory_space<semaphore_mem>>)
      %gt3A_561 = arith.constant 0 : i32
      %gt3A_562 = arith.cmpi sgt, %add3A_84, %gt3A_561 : i32
      %convert_element_type3A_563 = arith.extui %gt3A_562 : i1 to i32
      %cond3A_564 = arith.constant 0 : i32
      %cond3A_565 = arith.cmpi ne, %convert_element_type3A_563, %cond3A_564 : i32
      scf.if %cond3A_565 {
        %dma_wait3A_1057 = arith.constant 0 : i32
        %dma_wait3A_1058 = arith.constant 0 : i32
        %dma_wait3A_1059 = tpu.memref_slice %arg11[%dma_wait3A_1057, %dma_wait3A_1058] : memref<256x64xf32, #tpu.memory_space<vmem>> -> memref<128x64xf32, #tpu.memory_space<vmem>>
        %dma_wait3A_1060 = arith.constant 0 : i32
        %dma_wait3A_1061 = arith.constant 0 : i32
        %dma_wait3A_1062 = tpu.memref_slice %arg4[%dma_wait3A_1060, %dma_wait3A_1061] : memref<1048576x64xf32, #tpu.memory_space<hbm>> -> memref<128x64xf32, #tpu.memory_space<hbm>>
        %dma_wait3A_1063 = arith.constant 0 : i32
        %dma_wait3A_1064 = arith.constant 0 : i32
        %dma_wait3A_1065 = tpu.memref_slice %arg11[%dma_wait3A_1063, %dma_wait3A_1064] : memref<256x64xf32, #tpu.memory_space<vmem>> -> memref<128x64xf32, #tpu.memory_space<vmem>>
        %dma_wait3A_1066 = arith.constant 0 : i32
        %dma_wait3A_1067 = arith.constant 0 : i32
        %dma_wait3A_1068 = tpu.memref_slice %arg4[%dma_wait3A_1066, %dma_wait3A_1067] : memref<1048576x64xf32, #tpu.memory_space<hbm>> -> memref<128x64xf32, #tpu.memory_space<hbm>>
        tpu.wait_dma2 semaphore(%arg14 : memref<!tpu.dma_semaphore, #tpu.memory_space<semaphore_mem>>) src(%dma_wait3A_1068 : memref<128x64xf32, #tpu.memory_space<hbm>>) dst(%dma_wait3A_1065 : memref<128x64xf32, #tpu.memory_space<vmem>>)
        %dma_wait3A_1069 = arith.constant 128 : i32
        %dma_wait3A_1070 = arith.constant 0 : i32
        %dma_wait3A_1071 = tpu.memref_slice %arg11[%dma_wait3A_1069, %dma_wait3A_1070] : memref<256x64xf32, #tpu.memory_space<vmem>> -> memref<128x64xf32, #tpu.memory_space<vmem>>
        %dma_wait3A_1072 = arith.constant 0 : i32
        %dma_wait3A_1073 = arith.constant 0 : i32
        %dma_wait3A_1074 = tpu.memref_slice %arg4[%dma_wait3A_1072, %dma_wait3A_1073] : memref<1048576x64xf32, #tpu.memory_space<hbm>> -> memref<128x64xf32, #tpu.memory_space<hbm>>
        %dma_wait3A_1075 = arith.constant 128 : i32
        %dma_wait3A_1076 = arith.constant 0 : i32
        %dma_wait3A_1077 = tpu.memref_slice %arg11[%dma_wait3A_1075, %dma_wait3A_1076] : memref<256x64xf32, #tpu.memory_space<vmem>> -> memref<128x64xf32, #tpu.memory_space<vmem>>
        %dma_wait3A_1078 = arith.constant 0 : i32
        %dma_wait3A_1079 = arith.constant 0 : i32
        %dma_wait3A_1080 = tpu.memref_slice %arg4[%dma_wait3A_1078, %dma_wait3A_1079] : memref<1048576x64xf32, #tpu.memory_space<hbm>> -> memref<128x64xf32, #tpu.memory_space<hbm>>
        tpu.wait_dma2 semaphore(%arg14 : memref<!tpu.dma_semaphore, #tpu.memory_space<semaphore_mem>>) src(%dma_wait3A_1080 : memref<128x64xf32, #tpu.memory_space<hbm>>) dst(%dma_wait3A_1077 : memref<128x64xf32, #tpu.memory_space<vmem>>)
        %sub3A_1081 = arith.constant 1 : i32
        %sub3A_1082 = arith.subi %add3A_84, %sub3A_1081 : i32
        %mul3A_1083 = arith.constant 64 : i32
        %mul3A_1084 = arith.muli %add3A, %mul3A_1083 : i32
        %add3A_1085 = arith.addi %mul3A_1084, %sub3A_1082 : i32
        %jit3A_1086 = arith.constant 2 : i32
        %div3A_1087 = arith.divsi %add3A_1085, %jit3A_1086 : i32
        %sign3A_1088 = arith.constant 0 : i32
        %sign3A_1089 = arith.cmpi sgt, %add3A_1085, %sign3A_1088 : i32
        %sign3A_1090 = arith.extui %sign3A_1089 : i1 to i32
        %sign3A_1091 = arith.constant 0 : i32
        %sign3A_1092 = arith.cmpi slt, %add3A_1085, %sign3A_1091 : i32
        %sign3A_1093 = arith.extui %sign3A_1092 : i1 to i32
        %sign3A_1094 = arith.subi %sign3A_1090, %sign3A_1093 : i32
        %sign3A_1095 = arith.constant 0 : i32
        %sign3A_1096 = arith.cmpi sgt, %jit3A_1086, %sign3A_1095 : i32
        %sign3A_1097 = arith.extui %sign3A_1096 : i1 to i32
        %sign3A_1098 = arith.constant 0 : i32
        %sign3A_1099 = arith.cmpi slt, %jit3A_1086, %sign3A_1098 : i32
        %sign3A_1100 = arith.extui %sign3A_1099 : i1 to i32
        %sign3A_1101 = arith.subi %sign3A_1097, %sign3A_1100 : i32
        %ne3A_1102 = arith.cmpi ne, %sign3A_1094, %sign3A_1101 : i32
        %rem3A_1103 = arith.remsi %add3A_1085, %jit3A_1086 : i32
        %ne3A_1104 = arith.constant 0 : i32
        %ne3A_1105 = arith.cmpi ne, %rem3A_1103, %ne3A_1104 : i32
        %and3A_1106 = arith.andi %ne3A_1102, %ne3A_1105 : i1
        %sub3A_1107 = arith.constant 1 : i32
        %sub3A_1108 = arith.subi %div3A_1087, %sub3A_1107 : i32
        %select_n3A_1109 = arith.select %and3A_1106, %sub3A_1108, %div3A_1087 : i32
        %jit3A_1110 = arith.constant 2 : i32
        %eq3A_1111 = arith.constant 0 : i32
        %eq3A_1112 = arith.cmpi eq, %jit3A_1110, %eq3A_1111 : i32
        %jit3A_1113 = arith.constant 1 : i32
        %select_n3A_1114 = arith.select %eq3A_1112, %jit3A_1113, %jit3A_1110 : i32
        %rem3A_1115 = arith.remsi %add3A_1085, %select_n3A_1114 : i32
        %ne3A_1116 = arith.constant 0 : i32
        %ne3A_1117 = arith.cmpi ne, %rem3A_1115, %ne3A_1116 : i32
        %lt3A_1118 = arith.constant 0 : i32
        %lt3A_1119 = arith.cmpi slt, %rem3A_1115, %lt3A_1118 : i32
        %lt3A_1120 = arith.constant 0 : i32
        %lt3A_1121 = arith.cmpi slt, %select_n3A_1114, %lt3A_1120 : i32
        %ne3A_1122 = arith.xori %lt3A_1119, %lt3A_1121 : i1
        %and3A_1123 = arith.andi %ne3A_1122, %ne3A_1117 : i1
        %add3A_1124 = arith.addi %rem3A_1115, %select_n3A_1114 : i32
        %select_n3A_1125 = arith.select %and3A_1123, %add3A_1124, %rem3A_1115 : i32
        %mul3A_1126 = arith.constant 256 : i32
        %mul3A_1127 = arith.muli %select_n3A_1109, %mul3A_1126 : i32
        %mul3A_1128 = arith.constant 64 : i32
        %mul3A_1129 = arith.muli %select_n3A_1125, %mul3A_1128 : i32
        %dma_start3A_1130 = tpu.memref_slice %arg5[%mul3A_1127, %mul3A_1129] : memref<262144x128xf32, #tpu.memory_space<hbm>> -> memref<256x64xf32, #tpu.memory_space<hbm>>
        %dma_start3A_1131 = tpu.memref_slice %arg5[%mul3A_1127, %mul3A_1129] : memref<262144x128xf32, #tpu.memory_space<hbm>> -> memref<256x64xf32, #tpu.memory_space<hbm>>
        tpu.enqueue_dma source(%arg11 : memref<256x64xf32, #tpu.memory_space<vmem>>) target(%dma_start3A_1131 : memref<256x64xf32, #tpu.memory_space<hbm>>) target_semaphore(%arg16 : memref<!tpu.dma_semaphore, #tpu.memory_space<semaphore_mem>>)
      } else {
      }
      %mul3A_566 = arith.constant 2 : i32
      %mul3A_567 = arith.muli %scan3A_80, %mul3A_566 : i32
      %add3A_568 = arith.constant 1 : i32
      %add3A_569 = arith.addi %mul3A_567, %add3A_568 : i32
      %gt3A_570 = arith.constant 0 : i32
      %gt3A_571 = arith.cmpi sgt, %scan3A_80, %gt3A_570 : i32
      %convert_element_type3A_572 = arith.extui %gt3A_571 : i1 to i32
      %cond3A_573 = arith.constant 0 : i32
      %cond3A_574 = arith.cmpi ne, %convert_element_type3A_572, %cond3A_573 : i32
      scf.if %cond3A_574 {
        %dma_wait3A_1057 = arith.constant 0 : i32
        %dma_wait3A_1058 = arith.constant 0 : i32
        %dma_wait3A_1059 = tpu.memref_slice %arg5[%dma_wait3A_1057, %dma_wait3A_1058] : memref<262144x128xf32, #tpu.memory_space<hbm>> -> memref<256x64xf32, #tpu.memory_space<hbm>>
        %dma_wait3A_1060 = arith.constant 0 : i32
        %dma_wait3A_1061 = arith.constant 0 : i32
        %dma_wait3A_1062 = tpu.memref_slice %arg5[%dma_wait3A_1060, %dma_wait3A_1061] : memref<262144x128xf32, #tpu.memory_space<hbm>> -> memref<256x64xf32, #tpu.memory_space<hbm>>
        tpu.wait_dma2 semaphore(%arg16 : memref<!tpu.dma_semaphore, #tpu.memory_space<semaphore_mem>>) src(%arg11 : memref<256x64xf32, #tpu.memory_space<vmem>>) dst(%dma_wait3A_1062 : memref<256x64xf32, #tpu.memory_space<hbm>>)
      } else {
      }
      %mul3A_575 = arith.constant 16384 : i32
      %mul3A_576 = arith.muli %add3A, %mul3A_575 : i32
      %mul3A_577 = arith.constant 256 : i32
      %mul3A_578 = arith.muli %add3A_569, %mul3A_577 : i32
      %add3A_579 = arith.addi %mul3A_576, %mul3A_578 : i32
      %dma_start3A_580 = tpu.memref_slice %arg2[%add3A_579] : memref<524288xf32, #tpu.memory_space<hbm>> -> memref<256xf32, #tpu.memory_space<hbm>>
      %dma_start3A_581 = tpu.memref_slice %arg2[%add3A_579] : memref<524288xf32, #tpu.memory_space<hbm>> -> memref<256xf32, #tpu.memory_space<hbm>>
      tpu.enqueue_dma source(%dma_start3A_581 : memref<256xf32, #tpu.memory_space<hbm>>) target(%arg6 : memref<256xf32, #tpu.memory_space<vmem>>) target_semaphore(%arg12 : memref<!tpu.dma_semaphore, #tpu.memory_space<semaphore_mem>>)
      %dma_start3A_582 = tpu.memref_slice %arg3[%add3A_579] : memref<524288xf32, #tpu.memory_space<hbm>> -> memref<256xf32, #tpu.memory_space<hbm>>
      %dma_start3A_583 = tpu.memref_slice %arg3[%add3A_579] : memref<524288xf32, #tpu.memory_space<hbm>> -> memref<256xf32, #tpu.memory_space<hbm>>
      tpu.enqueue_dma source(%dma_start3A_583 : memref<256xf32, #tpu.memory_space<hbm>>) target(%arg7 : memref<256xf32, #tpu.memory_space<vmem>>) target_semaphore(%arg12 : memref<!tpu.dma_semaphore, #tpu.memory_space<semaphore_mem>>)
      %dma_wait3A_584 = tpu.memref_slice %arg2[%add3A_579] : memref<524288xf32, #tpu.memory_space<hbm>> -> memref<256xf32, #tpu.memory_space<hbm>>
      %dma_wait3A_585 = tpu.memref_slice %arg2[%add3A_579] : memref<524288xf32, #tpu.memory_space<hbm>> -> memref<256xf32, #tpu.memory_space<hbm>>
      tpu.wait_dma2 semaphore(%arg12 : memref<!tpu.dma_semaphore, #tpu.memory_space<semaphore_mem>>) src(%dma_wait3A_585 : memref<256xf32, #tpu.memory_space<hbm>>) dst(%arg6 : memref<256xf32, #tpu.memory_space<vmem>>)
      %dma_wait3A_586 = tpu.memref_slice %arg3[%add3A_579] : memref<524288xf32, #tpu.memory_space<hbm>> -> memref<256xf32, #tpu.memory_space<hbm>>
      %dma_wait3A_587 = tpu.memref_slice %arg3[%add3A_579] : memref<524288xf32, #tpu.memory_space<hbm>> -> memref<256xf32, #tpu.memory_space<hbm>>
      tpu.wait_dma2 semaphore(%arg12 : memref<!tpu.dma_semaphore, #tpu.memory_space<semaphore_mem>>) src(%dma_wait3A_587 : memref<256xf32, #tpu.memory_space<hbm>>) dst(%arg7 : memref<256xf32, #tpu.memory_space<vmem>>)
      %get3A_588 = arith.constant 0 : index
      %get3A_589 = tpu.vector_load %arg6[%get3A_588] {strides = array<i32>} : memref<256xf32, #tpu.memory_space<vmem>>, vector<16xf32>,
      %get3A_590 = vector.shape_cast %get3A_589 : vector<16xf32> to vector<16xf32>
      %mul3A_591 = arith.constant 1.024000e+03 : f32
      %mul3A_592 = vector.broadcast %mul3A_591 : f32 to vector<16xf32>
      %mul3A_593 = arith.mulf %get3A_590, %mul3A_592 : vector<16xf32>
      %get3A_594 = arith.constant 0 : index
      %get3A_595 = tpu.vector_load %arg7[%get3A_594] {strides = array<i32>} : memref<256xf32, #tpu.memory_space<vmem>>, vector<16xf32>,
      %get3A_596 = vector.shape_cast %get3A_595 : vector<16xf32> to vector<16xf32>
      %mul3A_597 = arith.constant 1.024000e+03 : f32
      %mul3A_598 = vector.broadcast %mul3A_597 : f32 to vector<16xf32>
      %mul3A_599 = arith.mulf %get3A_596, %mul3A_598 : vector<16xf32>
      %convert_element_type3A_600 = arith.fptosi %mul3A_593 : vector<16xf32> to vector<16xi32>
      %min3A_601 = arith.constant 1023 : i32
      %min3A_602 = vector.broadcast %min3A_601 : i32 to vector<16xi32>
      %min3A_603 = arith.minsi %convert_element_type3A_600, %min3A_602 : vector<16xi32>
      %convert_element_type3A_604 = arith.fptosi %mul3A_599 : vector<16xf32> to vector<16xi32>
      %min3A_605 = arith.constant 1023 : i32
      %min3A_606 = vector.broadcast %min3A_605 : i32 to vector<16xi32>
      %min3A_607 = arith.minsi %convert_element_type3A_604, %min3A_606 : vector<16xi32>
      %mul3A_608 = arith.constant 1024 : i32
      %mul3A_609 = vector.broadcast %mul3A_608 : i32 to vector<16xi32>
      %mul3A_610 = arith.muli %min3A_603, %mul3A_609 : vector<16xi32>
      %add3A_611 = arith.addi %mul3A_610, %min3A_607 : vector<16xi32>
      %swap3A_612 = arith.constant 0 : index
      %swap3A_613 = tpu.vector_load %arg9[%swap3A_612] {strides = array<i32>} : memref<256xi32, #tpu.memory_space<vmem>>, vector<16xi32>,
      %swap3A_614 = vector.shape_cast %swap3A_613 : vector<16xi32> to vector<16xi32>
      %swap3A_615 = vector.shape_cast %add3A_611 : vector<16xi32> to vector<16xi32>
      tpu.vector_store %arg9[%swap3A_612], %swap3A_615 {strides = array<i32>} : memref<256xi32, #tpu.memory_space<vmem>>, vector<16xi32>,
      %get3A_616 = arith.constant 16 : index
      %get3A_617 = tpu.vector_load %arg6[%get3A_616] {strides = array<i32>} : memref<256xf32, #tpu.memory_space<vmem>>, vector<16xf32>,
      %get3A_618 = vector.shape_cast %get3A_617 : vector<16xf32> to vector<16xf32>
      %mul3A_619 = arith.constant 1.024000e+03 : f32
      %mul3A_620 = vector.broadcast %mul3A_619 : f32 to vector<16xf32>
      %mul3A_621 = arith.mulf %get3A_618, %mul3A_620 : vector<16xf32>
      %get3A_622 = arith.constant 16 : index
      %get3A_623 = tpu.vector_load %arg7[%get3A_622] {strides = array<i32>} : memref<256xf32, #tpu.memory_space<vmem>>, vector<16xf32>,
      %get3A_624 = vector.shape_cast %get3A_623 : vector<16xf32> to vector<16xf32>
      %mul3A_625 = arith.constant 1.024000e+03 : f32
      %mul3A_626 = vector.broadcast %mul3A_625 : f32 to vector<16xf32>
      %mul3A_627 = arith.mulf %get3A_624, %mul3A_626 : vector<16xf32>
      %convert_element_type3A_628 = arith.fptosi %mul3A_621 : vector<16xf32> to vector<16xi32>
      %min3A_629 = arith.constant 1023 : i32
      %min3A_630 = vector.broadcast %min3A_629 : i32 to vector<16xi32>
      %min3A_631 = arith.minsi %convert_element_type3A_628, %min3A_630 : vector<16xi32>
      %convert_element_type3A_632 = arith.fptosi %mul3A_627 : vector<16xf32> to vector<16xi32>
      %min3A_633 = arith.constant 1023 : i32
      %min3A_634 = vector.broadcast %min3A_633 : i32 to vector<16xi32>
      %min3A_635 = arith.minsi %convert_element_type3A_632, %min3A_634 : vector<16xi32>
      %mul3A_636 = arith.constant 1024 : i32
      %mul3A_637 = vector.broadcast %mul3A_636 : i32 to vector<16xi32>
      %mul3A_638 = arith.muli %min3A_631, %mul3A_637 : vector<16xi32>
      %add3A_639 = arith.addi %mul3A_638, %min3A_635 : vector<16xi32>
      %swap3A_640 = arith.constant 16 : index
      %swap3A_641 = tpu.vector_load %arg9[%swap3A_640] {strides = array<i32>} : memref<256xi32, #tpu.memory_space<vmem>>, vector<16xi32>,
      %swap3A_642 = vector.shape_cast %swap3A_641 : vector<16xi32> to vector<16xi32>
      %swap3A_643 = vector.shape_cast %add3A_639 : vector<16xi32> to vector<16xi32>
      tpu.vector_store %arg9[%swap3A_640], %swap3A_643 {strides = array<i32>} : memref<256xi32, #tpu.memory_space<vmem>>, vector<16xi32>,
      %get3A_644 = arith.constant 32 : index
      %get3A_645 = tpu.vector_load %arg6[%get3A_644] {strides = array<i32>} : memref<256xf32, #tpu.memory_space<vmem>>, vector<16xf32>,
      %get3A_646 = vector.shape_cast %get3A_645 : vector<16xf32> to vector<16xf32>
      %mul3A_647 = arith.constant 1.024000e+03 : f32
      %mul3A_648 = vector.broadcast %mul3A_647 : f32 to vector<16xf32>
      %mul3A_649 = arith.mulf %get3A_646, %mul3A_648 : vector<16xf32>
      %get3A_650 = arith.constant 32 : index
      %get3A_651 = tpu.vector_load %arg7[%get3A_650] {strides = array<i32>} : memref<256xf32, #tpu.memory_space<vmem>>, vector<16xf32>,
      %get3A_652 = vector.shape_cast %get3A_651 : vector<16xf32> to vector<16xf32>
      %mul3A_653 = arith.constant 1.024000e+03 : f32
      %mul3A_654 = vector.broadcast %mul3A_653 : f32 to vector<16xf32>
      %mul3A_655 = arith.mulf %get3A_652, %mul3A_654 : vector<16xf32>
      %convert_element_type3A_656 = arith.fptosi %mul3A_649 : vector<16xf32> to vector<16xi32>
      %min3A_657 = arith.constant 1023 : i32
      %min3A_658 = vector.broadcast %min3A_657 : i32 to vector<16xi32>
      %min3A_659 = arith.minsi %convert_element_type3A_656, %min3A_658 : vector<16xi32>
      %convert_element_type3A_660 = arith.fptosi %mul3A_655 : vector<16xf32> to vector<16xi32>
      %min3A_661 = arith.constant 1023 : i32
      %min3A_662 = vector.broadcast %min3A_661 : i32 to vector<16xi32>
      %min3A_663 = arith.minsi %convert_element_type3A_660, %min3A_662 : vector<16xi32>
      %mul3A_664 = arith.constant 1024 : i32
      %mul3A_665 = vector.broadcast %mul3A_664 : i32 to vector<16xi32>
      %mul3A_666 = arith.muli %min3A_659, %mul3A_665 : vector<16xi32>
      %add3A_667 = arith.addi %mul3A_666, %min3A_663 : vector<16xi32>
      %swap3A_668 = arith.constant 32 : index
      %swap3A_669 = tpu.vector_load %arg9[%swap3A_668] {strides = array<i32>} : memref<256xi32, #tpu.memory_space<vmem>>, vector<16xi32>,
      %swap3A_670 = vector.shape_cast %swap3A_669 : vector<16xi32> to vector<16xi32>
      %swap3A_671 = vector.shape_cast %add3A_667 : vector<16xi32> to vector<16xi32>
      tpu.vector_store %arg9[%swap3A_668], %swap3A_671 {strides = array<i32>} : memref<256xi32, #tpu.memory_space<vmem>>, vector<16xi32>,
      %get3A_672 = arith.constant 48 : index
      %get3A_673 = tpu.vector_load %arg6[%get3A_672] {strides = array<i32>} : memref<256xf32, #tpu.memory_space<vmem>>, vector<16xf32>,
      %get3A_674 = vector.shape_cast %get3A_673 : vector<16xf32> to vector<16xf32>
      %mul3A_675 = arith.constant 1.024000e+03 : f32
      %mul3A_676 = vector.broadcast %mul3A_675 : f32 to vector<16xf32>
      %mul3A_677 = arith.mulf %get3A_674, %mul3A_676 : vector<16xf32>
      %get3A_678 = arith.constant 48 : index
      %get3A_679 = tpu.vector_load %arg7[%get3A_678] {strides = array<i32>} : memref<256xf32, #tpu.memory_space<vmem>>, vector<16xf32>,
      %get3A_680 = vector.shape_cast %get3A_679 : vector<16xf32> to vector<16xf32>
      %mul3A_681 = arith.constant 1.024000e+03 : f32
      %mul3A_682 = vector.broadcast %mul3A_681 : f32 to vector<16xf32>
      %mul3A_683 = arith.mulf %get3A_680, %mul3A_682 : vector<16xf32>
      %convert_element_type3A_684 = arith.fptosi %mul3A_677 : vector<16xf32> to vector<16xi32>
      %min3A_685 = arith.constant 1023 : i32
      %min3A_686 = vector.broadcast %min3A_685 : i32 to vector<16xi32>
      %min3A_687 = arith.minsi %convert_element_type3A_684, %min3A_686 : vector<16xi32>
      %convert_element_type3A_688 = arith.fptosi %mul3A_683 : vector<16xf32> to vector<16xi32>
      %min3A_689 = arith.constant 1023 : i32
      %min3A_690 = vector.broadcast %min3A_689 : i32 to vector<16xi32>
      %min3A_691 = arith.minsi %convert_element_type3A_688, %min3A_690 : vector<16xi32>
      %mul3A_692 = arith.constant 1024 : i32
      %mul3A_693 = vector.broadcast %mul3A_692 : i32 to vector<16xi32>
      %mul3A_694 = arith.muli %min3A_687, %mul3A_693 : vector<16xi32>
      %add3A_695 = arith.addi %mul3A_694, %min3A_691 : vector<16xi32>
      %swap3A_696 = arith.constant 48 : index
      %swap3A_697 = tpu.vector_load %arg9[%swap3A_696] {strides = array<i32>} : memref<256xi32, #tpu.memory_space<vmem>>, vector<16xi32>,
      %swap3A_698 = vector.shape_cast %swap3A_697 : vector<16xi32> to vector<16xi32>
      %swap3A_699 = vector.shape_cast %add3A_695 : vector<16xi32> to vector<16xi32>
      tpu.vector_store %arg9[%swap3A_696], %swap3A_699 {strides = array<i32>} : memref<256xi32, #tpu.memory_space<vmem>>, vector<16xi32>,
      %get3A_700 = arith.constant 64 : index
      %get3A_701 = tpu.vector_load %arg6[%get3A_700] {strides = array<i32>} : memref<256xf32, #tpu.memory_space<vmem>>, vector<16xf32>,
      %get3A_702 = vector.shape_cast %get3A_701 : vector<16xf32> to vector<16xf32>
      %mul3A_703 = arith.constant 1.024000e+03 : f32
      %mul3A_704 = vector.broadcast %mul3A_703 : f32 to vector<16xf32>
      %mul3A_705 = arith.mulf %get3A_702, %mul3A_704 : vector<16xf32>
      %get3A_706 = arith.constant 64 : index
      %get3A_707 = tpu.vector_load %arg7[%get3A_706] {strides = array<i32>} : memref<256xf32, #tpu.memory_space<vmem>>, vector<16xf32>,
      %get3A_708 = vector.shape_cast %get3A_707 : vector<16xf32> to vector<16xf32>
      %mul3A_709 = arith.constant 1.024000e+03 : f32
      %mul3A_710 = vector.broadcast %mul3A_709 : f32 to vector<16xf32>
      %mul3A_711 = arith.mulf %get3A_708, %mul3A_710 : vector<16xf32>
      %convert_element_type3A_712 = arith.fptosi %mul3A_705 : vector<16xf32> to vector<16xi32>
      %min3A_713 = arith.constant 1023 : i32
      %min3A_714 = vector.broadcast %min3A_713 : i32 to vector<16xi32>
      %min3A_715 = arith.minsi %convert_element_type3A_712, %min3A_714 : vector<16xi32>
      %convert_element_type3A_716 = arith.fptosi %mul3A_711 : vector<16xf32> to vector<16xi32>
      %min3A_717 = arith.constant 1023 : i32
      %min3A_718 = vector.broadcast %min3A_717 : i32 to vector<16xi32>
      %min3A_719 = arith.minsi %convert_element_type3A_716, %min3A_718 : vector<16xi32>
      %mul3A_720 = arith.constant 1024 : i32
      %mul3A_721 = vector.broadcast %mul3A_720 : i32 to vector<16xi32>
      %mul3A_722 = arith.muli %min3A_715, %mul3A_721 : vector<16xi32>
      %add3A_723 = arith.addi %mul3A_722, %min3A_719 : vector<16xi32>
      %swap3A_724 = arith.constant 64 : index
      %swap3A_725 = tpu.vector_load %arg9[%swap3A_724] {strides = array<i32>} : memref<256xi32, #tpu.memory_space<vmem>>, vector<16xi32>,
      %swap3A_726 = vector.shape_cast %swap3A_725 : vector<16xi32> to vector<16xi32>
      %swap3A_727 = vector.shape_cast %add3A_723 : vector<16xi32> to vector<16xi32>
      tpu.vector_store %arg9[%swap3A_724], %swap3A_727 {strides = array<i32>} : memref<256xi32, #tpu.memory_space<vmem>>, vector<16xi32>,
      %get3A_728 = arith.constant 80 : index
      %get3A_729 = tpu.vector_load %arg6[%get3A_728] {strides = array<i32>} : memref<256xf32, #tpu.memory_space<vmem>>, vector<16xf32>,
      %get3A_730 = vector.shape_cast %get3A_729 : vector<16xf32> to vector<16xf32>
      %mul3A_731 = arith.constant 1.024000e+03 : f32
      %mul3A_732 = vector.broadcast %mul3A_731 : f32 to vector<16xf32>
      %mul3A_733 = arith.mulf %get3A_730, %mul3A_732 : vector<16xf32>
      %get3A_734 = arith.constant 80 : index
      %get3A_735 = tpu.vector_load %arg7[%get3A_734] {strides = array<i32>} : memref<256xf32, #tpu.memory_space<vmem>>, vector<16xf32>,
      %get3A_736 = vector.shape_cast %get3A_735 : vector<16xf32> to vector<16xf32>
      %mul3A_737 = arith.constant 1.024000e+03 : f32
      %mul3A_738 = vector.broadcast %mul3A_737 : f32 to vector<16xf32>
      %mul3A_739 = arith.mulf %get3A_736, %mul3A_738 : vector<16xf32>
      %convert_element_type3A_740 = arith.fptosi %mul3A_733 : vector<16xf32> to vector<16xi32>
      %min3A_741 = arith.constant 1023 : i32
      %min3A_742 = vector.broadcast %min3A_741 : i32 to vector<16xi32>
      %min3A_743 = arith.minsi %convert_element_type3A_740, %min3A_742 : vector<16xi32>
      %convert_element_type3A_744 = arith.fptosi %mul3A_739 : vector<16xf32> to vector<16xi32>
      %min3A_745 = arith.constant 1023 : i32
      %min3A_746 = vector.broadcast %min3A_745 : i32 to vector<16xi32>
      %min3A_747 = arith.minsi %convert_element_type3A_744, %min3A_746 : vector<16xi32>
      %mul3A_748 = arith.constant 1024 : i32
      %mul3A_749 = vector.broadcast %mul3A_748 : i32 to vector<16xi32>
      %mul3A_750 = arith.muli %min3A_743, %mul3A_749 : vector<16xi32>
      %add3A_751 = arith.addi %mul3A_750, %min3A_747 : vector<16xi32>
      %swap3A_752 = arith.constant 80 : index
      %swap3A_753 = tpu.vector_load %arg9[%swap3A_752] {strides = array<i32>} : memref<256xi32, #tpu.memory_space<vmem>>, vector<16xi32>,
      %swap3A_754 = vector.shape_cast %swap3A_753 : vector<16xi32> to vector<16xi32>
      %swap3A_755 = vector.shape_cast %add3A_751 : vector<16xi32> to vector<16xi32>
      tpu.vector_store %arg9[%swap3A_752], %swap3A_755 {strides = array<i32>} : memref<256xi32, #tpu.memory_space<vmem>>, vector<16xi32>,
      %get3A_756 = arith.constant 96 : index
      %get3A_757 = tpu.vector_load %arg6[%get3A_756] {strides = array<i32>} : memref<256xf32, #tpu.memory_space<vmem>>, vector<16xf32>,
      %get3A_758 = vector.shape_cast %get3A_757 : vector<16xf32> to vector<16xf32>
      %mul3A_759 = arith.constant 1.024000e+03 : f32
      %mul3A_760 = vector.broadcast %mul3A_759 : f32 to vector<16xf32>
      %mul3A_761 = arith.mulf %get3A_758, %mul3A_760 : vector<16xf32>
      %get3A_762 = arith.constant 96 : index
      %get3A_763 = tpu.vector_load %arg7[%get3A_762] {strides = array<i32>} : memref<256xf32, #tpu.memory_space<vmem>>, vector<16xf32>,
      %get3A_764 = vector.shape_cast %get3A_763 : vector<16xf32> to vector<16xf32>
      %mul3A_765 = arith.constant 1.024000e+03 : f32
      %mul3A_766 = vector.broadcast %mul3A_765 : f32 to vector<16xf32>
      %mul3A_767 = arith.mulf %get3A_764, %mul3A_766 : vector<16xf32>
      %convert_element_type3A_768 = arith.fptosi %mul3A_761 : vector<16xf32> to vector<16xi32>
      %min3A_769 = arith.constant 1023 : i32
      %min3A_770 = vector.broadcast %min3A_769 : i32 to vector<16xi32>
      %min3A_771 = arith.minsi %convert_element_type3A_768, %min3A_770 : vector<16xi32>
      %convert_element_type3A_772 = arith.fptosi %mul3A_767 : vector<16xf32> to vector<16xi32>
      %min3A_773 = arith.constant 1023 : i32
      %min3A_774 = vector.broadcast %min3A_773 : i32 to vector<16xi32>
      %min3A_775 = arith.minsi %convert_element_type3A_772, %min3A_774 : vector<16xi32>
      %mul3A_776 = arith.constant 1024 : i32
      %mul3A_777 = vector.broadcast %mul3A_776 : i32 to vector<16xi32>
      %mul3A_778 = arith.muli %min3A_771, %mul3A_777 : vector<16xi32>
      %add3A_779 = arith.addi %mul3A_778, %min3A_775 : vector<16xi32>
      %swap3A_780 = arith.constant 96 : index
      %swap3A_781 = tpu.vector_load %arg9[%swap3A_780] {strides = array<i32>} : memref<256xi32, #tpu.memory_space<vmem>>, vector<16xi32>,
      %swap3A_782 = vector.shape_cast %swap3A_781 : vector<16xi32> to vector<16xi32>
      %swap3A_783 = vector.shape_cast %add3A_779 : vector<16xi32> to vector<16xi32>
      tpu.vector_store %arg9[%swap3A_780], %swap3A_783 {strides = array<i32>} : memref<256xi32, #tpu.memory_space<vmem>>, vector<16xi32>,
      %get3A_784 = arith.constant 112 : index
      %get3A_785 = tpu.vector_load %arg6[%get3A_784] {strides = array<i32>} : memref<256xf32, #tpu.memory_space<vmem>>, vector<16xf32>,
      %get3A_786 = vector.shape_cast %get3A_785 : vector<16xf32> to vector<16xf32>
      %mul3A_787 = arith.constant 1.024000e+03 : f32
      %mul3A_788 = vector.broadcast %mul3A_787 : f32 to vector<16xf32>
      %mul3A_789 = arith.mulf %get3A_786, %mul3A_788 : vector<16xf32>
      %get3A_790 = arith.constant 112 : index
      %get3A_791 = tpu.vector_load %arg7[%get3A_790] {strides = array<i32>} : memref<256xf32, #tpu.memory_space<vmem>>, vector<16xf32>,
      %get3A_792 = vector.shape_cast %get3A_791 : vector<16xf32> to vector<16xf32>
      %mul3A_793 = arith.constant 1.024000e+03 : f32
      %mul3A_794 = vector.broadcast %mul3A_793 : f32 to vector<16xf32>
      %mul3A_795 = arith.mulf %get3A_792, %mul3A_794 : vector<16xf32>
      %convert_element_type3A_796 = arith.fptosi %mul3A_789 : vector<16xf32> to vector<16xi32>
      %min3A_797 = arith.constant 1023 : i32
      %min3A_798 = vector.broadcast %min3A_797 : i32 to vector<16xi32>
      %min3A_799 = arith.minsi %convert_element_type3A_796, %min3A_798 : vector<16xi32>
      %convert_element_type3A_800 = arith.fptosi %mul3A_795 : vector<16xf32> to vector<16xi32>
      %min3A_801 = arith.constant 1023 : i32
      %min3A_802 = vector.broadcast %min3A_801 : i32 to vector<16xi32>
      %min3A_803 = arith.minsi %convert_element_type3A_800, %min3A_802 : vector<16xi32>
      %mul3A_804 = arith.constant 1024 : i32
      %mul3A_805 = vector.broadcast %mul3A_804 : i32 to vector<16xi32>
      %mul3A_806 = arith.muli %min3A_799, %mul3A_805 : vector<16xi32>
      %add3A_807 = arith.addi %mul3A_806, %min3A_803 : vector<16xi32>
      %swap3A_808 = arith.constant 112 : index
      %swap3A_809 = tpu.vector_load %arg9[%swap3A_808] {strides = array<i32>} : memref<256xi32, #tpu.memory_space<vmem>>, vector<16xi32>,
      %swap3A_810 = vector.shape_cast %swap3A_809 : vector<16xi32> to vector<16xi32>
      %swap3A_811 = vector.shape_cast %add3A_807 : vector<16xi32> to vector<16xi32>
      tpu.vector_store %arg9[%swap3A_808], %swap3A_811 {strides = array<i32>} : memref<256xi32, #tpu.memory_space<vmem>>, vector<16xi32>,
      %get3A_812 = arith.constant 128 : index
      %get3A_813 = tpu.vector_load %arg6[%get3A_812] {strides = array<i32>} : memref<256xf32, #tpu.memory_space<vmem>>, vector<16xf32>,
      %get3A_814 = vector.shape_cast %get3A_813 : vector<16xf32> to vector<16xf32>
      %mul3A_815 = arith.constant 1.024000e+03 : f32
      %mul3A_816 = vector.broadcast %mul3A_815 : f32 to vector<16xf32>
      %mul3A_817 = arith.mulf %get3A_814, %mul3A_816 : vector<16xf32>
      %get3A_818 = arith.constant 128 : index
      %get3A_819 = tpu.vector_load %arg7[%get3A_818] {strides = array<i32>} : memref<256xf32, #tpu.memory_space<vmem>>, vector<16xf32>,
      %get3A_820 = vector.shape_cast %get3A_819 : vector<16xf32> to vector<16xf32>
      %mul3A_821 = arith.constant 1.024000e+03 : f32
      %mul3A_822 = vector.broadcast %mul3A_821 : f32 to vector<16xf32>
      %mul3A_823 = arith.mulf %get3A_820, %mul3A_822 : vector<16xf32>
      %convert_element_type3A_824 = arith.fptosi %mul3A_817 : vector<16xf32> to vector<16xi32>
      %min3A_825 = arith.constant 1023 : i32
      %min3A_826 = vector.broadcast %min3A_825 : i32 to vector<16xi32>
      %min3A_827 = arith.minsi %convert_element_type3A_824, %min3A_826 : vector<16xi32>
      %convert_element_type3A_828 = arith.fptosi %mul3A_823 : vector<16xf32> to vector<16xi32>
      %min3A_829 = arith.constant 1023 : i32
      %min3A_830 = vector.broadcast %min3A_829 : i32 to vector<16xi32>
      %min3A_831 = arith.minsi %convert_element_type3A_828, %min3A_830 : vector<16xi32>
      %mul3A_832 = arith.constant 1024 : i32
      %mul3A_833 = vector.broadcast %mul3A_832 : i32 to vector<16xi32>
      %mul3A_834 = arith.muli %min3A_827, %mul3A_833 : vector<16xi32>
      %add3A_835 = arith.addi %mul3A_834, %min3A_831 : vector<16xi32>
      %swap3A_836 = arith.constant 128 : index
      %swap3A_837 = tpu.vector_load %arg9[%swap3A_836] {strides = array<i32>} : memref<256xi32, #tpu.memory_space<vmem>>, vector<16xi32>,
      %swap3A_838 = vector.shape_cast %swap3A_837 : vector<16xi32> to vector<16xi32>
      %swap3A_839 = vector.shape_cast %add3A_835 : vector<16xi32> to vector<16xi32>
      tpu.vector_store %arg9[%swap3A_836], %swap3A_839 {strides = array<i32>} : memref<256xi32, #tpu.memory_space<vmem>>, vector<16xi32>,
      %get3A_840 = arith.constant 144 : index
      %get3A_841 = tpu.vector_load %arg6[%get3A_840] {strides = array<i32>} : memref<256xf32, #tpu.memory_space<vmem>>, vector<16xf32>,
      %get3A_842 = vector.shape_cast %get3A_841 : vector<16xf32> to vector<16xf32>
      %mul3A_843 = arith.constant 1.024000e+03 : f32
      %mul3A_844 = vector.broadcast %mul3A_843 : f32 to vector<16xf32>
      %mul3A_845 = arith.mulf %get3A_842, %mul3A_844 : vector<16xf32>
      %get3A_846 = arith.constant 144 : index
      %get3A_847 = tpu.vector_load %arg7[%get3A_846] {strides = array<i32>} : memref<256xf32, #tpu.memory_space<vmem>>, vector<16xf32>,
      %get3A_848 = vector.shape_cast %get3A_847 : vector<16xf32> to vector<16xf32>
      %mul3A_849 = arith.constant 1.024000e+03 : f32
      %mul3A_850 = vector.broadcast %mul3A_849 : f32 to vector<16xf32>
      %mul3A_851 = arith.mulf %get3A_848, %mul3A_850 : vector<16xf32>
      %convert_element_type3A_852 = arith.fptosi %mul3A_845 : vector<16xf32> to vector<16xi32>
      %min3A_853 = arith.constant 1023 : i32
      %min3A_854 = vector.broadcast %min3A_853 : i32 to vector<16xi32>
      %min3A_855 = arith.minsi %convert_element_type3A_852, %min3A_854 : vector<16xi32>
      %convert_element_type3A_856 = arith.fptosi %mul3A_851 : vector<16xf32> to vector<16xi32>
      %min3A_857 = arith.constant 1023 : i32
      %min3A_858 = vector.broadcast %min3A_857 : i32 to vector<16xi32>
      %min3A_859 = arith.minsi %convert_element_type3A_856, %min3A_858 : vector<16xi32>
      %mul3A_860 = arith.constant 1024 : i32
      %mul3A_861 = vector.broadcast %mul3A_860 : i32 to vector<16xi32>
      %mul3A_862 = arith.muli %min3A_855, %mul3A_861 : vector<16xi32>
      %add3A_863 = arith.addi %mul3A_862, %min3A_859 : vector<16xi32>
      %swap3A_864 = arith.constant 144 : index
      %swap3A_865 = tpu.vector_load %arg9[%swap3A_864] {strides = array<i32>} : memref<256xi32, #tpu.memory_space<vmem>>, vector<16xi32>,
      %swap3A_866 = vector.shape_cast %swap3A_865 : vector<16xi32> to vector<16xi32>
      %swap3A_867 = vector.shape_cast %add3A_863 : vector<16xi32> to vector<16xi32>
      tpu.vector_store %arg9[%swap3A_864], %swap3A_867 {strides = array<i32>} : memref<256xi32, #tpu.memory_space<vmem>>, vector<16xi32>,
      %get3A_868 = arith.constant 160 : index
      %get3A_869 = tpu.vector_load %arg6[%get3A_868] {strides = array<i32>} : memref<256xf32, #tpu.memory_space<vmem>>, vector<16xf32>,
      %get3A_870 = vector.shape_cast %get3A_869 : vector<16xf32> to vector<16xf32>
      %mul3A_871 = arith.constant 1.024000e+03 : f32
      %mul3A_872 = vector.broadcast %mul3A_871 : f32 to vector<16xf32>
      %mul3A_873 = arith.mulf %get3A_870, %mul3A_872 : vector<16xf32>
      %get3A_874 = arith.constant 160 : index
      %get3A_875 = tpu.vector_load %arg7[%get3A_874] {strides = array<i32>} : memref<256xf32, #tpu.memory_space<vmem>>, vector<16xf32>,
      %get3A_876 = vector.shape_cast %get3A_875 : vector<16xf32> to vector<16xf32>
      %mul3A_877 = arith.constant 1.024000e+03 : f32
      %mul3A_878 = vector.broadcast %mul3A_877 : f32 to vector<16xf32>
      %mul3A_879 = arith.mulf %get3A_876, %mul3A_878 : vector<16xf32>
      %convert_element_type3A_880 = arith.fptosi %mul3A_873 : vector<16xf32> to vector<16xi32>
      %min3A_881 = arith.constant 1023 : i32
      %min3A_882 = vector.broadcast %min3A_881 : i32 to vector<16xi32>
      %min3A_883 = arith.minsi %convert_element_type3A_880, %min3A_882 : vector<16xi32>
      %convert_element_type3A_884 = arith.fptosi %mul3A_879 : vector<16xf32> to vector<16xi32>
      %min3A_885 = arith.constant 1023 : i32
      %min3A_886 = vector.broadcast %min3A_885 : i32 to vector<16xi32>
      %min3A_887 = arith.minsi %convert_element_type3A_884, %min3A_886 : vector<16xi32>
      %mul3A_888 = arith.constant 1024 : i32
      %mul3A_889 = vector.broadcast %mul3A_888 : i32 to vector<16xi32>
      %mul3A_890 = arith.muli %min3A_883, %mul3A_889 : vector<16xi32>
      %add3A_891 = arith.addi %mul3A_890, %min3A_887 : vector<16xi32>
      %swap3A_892 = arith.constant 160 : index
      %swap3A_893 = tpu.vector_load %arg9[%swap3A_892] {strides = array<i32>} : memref<256xi32, #tpu.memory_space<vmem>>, vector<16xi32>,
      %swap3A_894 = vector.shape_cast %swap3A_893 : vector<16xi32> to vector<16xi32>
      %swap3A_895 = vector.shape_cast %add3A_891 : vector<16xi32> to vector<16xi32>
      tpu.vector_store %arg9[%swap3A_892], %swap3A_895 {strides = array<i32>} : memref<256xi32, #tpu.memory_space<vmem>>, vector<16xi32>,
      %get3A_896 = arith.constant 176 : index
      %get3A_897 = tpu.vector_load %arg6[%get3A_896] {strides = array<i32>} : memref<256xf32, #tpu.memory_space<vmem>>, vector<16xf32>,
      %get3A_898 = vector.shape_cast %get3A_897 : vector<16xf32> to vector<16xf32>
      %mul3A_899 = arith.constant 1.024000e+03 : f32
      %mul3A_900 = vector.broadcast %mul3A_899 : f32 to vector<16xf32>
      %mul3A_901 = arith.mulf %get3A_898, %mul3A_900 : vector<16xf32>
      %get3A_902 = arith.constant 176 : index
      %get3A_903 = tpu.vector_load %arg7[%get3A_902] {strides = array<i32>} : memref<256xf32, #tpu.memory_space<vmem>>, vector<16xf32>,
      %get3A_904 = vector.shape_cast %get3A_903 : vector<16xf32> to vector<16xf32>
      %mul3A_905 = arith.constant 1.024000e+03 : f32
      %mul3A_906 = vector.broadcast %mul3A_905 : f32 to vector<16xf32>
      %mul3A_907 = arith.mulf %get3A_904, %mul3A_906 : vector<16xf32>
      %convert_element_type3A_908 = arith.fptosi %mul3A_901 : vector<16xf32> to vector<16xi32>
      %min3A_909 = arith.constant 1023 : i32
      %min3A_910 = vector.broadcast %min3A_909 : i32 to vector<16xi32>
      %min3A_911 = arith.minsi %convert_element_type3A_908, %min3A_910 : vector<16xi32>
      %convert_element_type3A_912 = arith.fptosi %mul3A_907 : vector<16xf32> to vector<16xi32>
      %min3A_913 = arith.constant 1023 : i32
      %min3A_914 = vector.broadcast %min3A_913 : i32 to vector<16xi32>
      %min3A_915 = arith.minsi %convert_element_type3A_912, %min3A_914 : vector<16xi32>
      %mul3A_916 = arith.constant 1024 : i32
      %mul3A_917 = vector.broadcast %mul3A_916 : i32 to vector<16xi32>
      %mul3A_918 = arith.muli %min3A_911, %mul3A_917 : vector<16xi32>
      %add3A_919 = arith.addi %mul3A_918, %min3A_915 : vector<16xi32>
      %swap3A_920 = arith.constant 176 : index
      %swap3A_921 = tpu.vector_load %arg9[%swap3A_920] {strides = array<i32>} : memref<256xi32, #tpu.memory_space<vmem>>, vector<16xi32>,
      %swap3A_922 = vector.shape_cast %swap3A_921 : vector<16xi32> to vector<16xi32>
      %swap3A_923 = vector.shape_cast %add3A_919 : vector<16xi32> to vector<16xi32>
      tpu.vector_store %arg9[%swap3A_920], %swap3A_923 {strides = array<i32>} : memref<256xi32, #tpu.memory_space<vmem>>, vector<16xi32>,
      %get3A_924 = arith.constant 192 : index
      %get3A_925 = tpu.vector_load %arg6[%get3A_924] {strides = array<i32>} : memref<256xf32, #tpu.memory_space<vmem>>, vector<16xf32>,
      %get3A_926 = vector.shape_cast %get3A_925 : vector<16xf32> to vector<16xf32>
      %mul3A_927 = arith.constant 1.024000e+03 : f32
      %mul3A_928 = vector.broadcast %mul3A_927 : f32 to vector<16xf32>
      %mul3A_929 = arith.mulf %get3A_926, %mul3A_928 : vector<16xf32>
      %get3A_930 = arith.constant 192 : index
      %get3A_931 = tpu.vector_load %arg7[%get3A_930] {strides = array<i32>} : memref<256xf32, #tpu.memory_space<vmem>>, vector<16xf32>,
      %get3A_932 = vector.shape_cast %get3A_931 : vector<16xf32> to vector<16xf32>
      %mul3A_933 = arith.constant 1.024000e+03 : f32
      %mul3A_934 = vector.broadcast %mul3A_933 : f32 to vector<16xf32>
      %mul3A_935 = arith.mulf %get3A_932, %mul3A_934 : vector<16xf32>
      %convert_element_type3A_936 = arith.fptosi %mul3A_929 : vector<16xf32> to vector<16xi32>
      %min3A_937 = arith.constant 1023 : i32
      %min3A_938 = vector.broadcast %min3A_937 : i32 to vector<16xi32>
      %min3A_939 = arith.minsi %convert_element_type3A_936, %min3A_938 : vector<16xi32>
      %convert_element_type3A_940 = arith.fptosi %mul3A_935 : vector<16xf32> to vector<16xi32>
      %min3A_941 = arith.constant 1023 : i32
      %min3A_942 = vector.broadcast %min3A_941 : i32 to vector<16xi32>
      %min3A_943 = arith.minsi %convert_element_type3A_940, %min3A_942 : vector<16xi32>
      %mul3A_944 = arith.constant 1024 : i32
      %mul3A_945 = vector.broadcast %mul3A_944 : i32 to vector<16xi32>
      %mul3A_946 = arith.muli %min3A_939, %mul3A_945 : vector<16xi32>
      %add3A_947 = arith.addi %mul3A_946, %min3A_943 : vector<16xi32>
      %swap3A_948 = arith.constant 192 : index
      %swap3A_949 = tpu.vector_load %arg9[%swap3A_948] {strides = array<i32>} : memref<256xi32, #tpu.memory_space<vmem>>, vector<16xi32>,
      %swap3A_950 = vector.shape_cast %swap3A_949 : vector<16xi32> to vector<16xi32>
      %swap3A_951 = vector.shape_cast %add3A_947 : vector<16xi32> to vector<16xi32>
      tpu.vector_store %arg9[%swap3A_948], %swap3A_951 {strides = array<i32>} : memref<256xi32, #tpu.memory_space<vmem>>, vector<16xi32>,
      %get3A_952 = arith.constant 208 : index
      %get3A_953 = tpu.vector_load %arg6[%get3A_952] {strides = array<i32>} : memref<256xf32, #tpu.memory_space<vmem>>, vector<16xf32>,
      %get3A_954 = vector.shape_cast %get3A_953 : vector<16xf32> to vector<16xf32>
      %mul3A_955 = arith.constant 1.024000e+03 : f32
      %mul3A_956 = vector.broadcast %mul3A_955 : f32 to vector<16xf32>
      %mul3A_957 = arith.mulf %get3A_954, %mul3A_956 : vector<16xf32>
      %get3A_958 = arith.constant 208 : index
      %get3A_959 = tpu.vector_load %arg7[%get3A_958] {strides = array<i32>} : memref<256xf32, #tpu.memory_space<vmem>>, vector<16xf32>,
      %get3A_960 = vector.shape_cast %get3A_959 : vector<16xf32> to vector<16xf32>
      %mul3A_961 = arith.constant 1.024000e+03 : f32
      %mul3A_962 = vector.broadcast %mul3A_961 : f32 to vector<16xf32>
      %mul3A_963 = arith.mulf %get3A_960, %mul3A_962 : vector<16xf32>
      %convert_element_type3A_964 = arith.fptosi %mul3A_957 : vector<16xf32> to vector<16xi32>
      %min3A_965 = arith.constant 1023 : i32
      %min3A_966 = vector.broadcast %min3A_965 : i32 to vector<16xi32>
      %min3A_967 = arith.minsi %convert_element_type3A_964, %min3A_966 : vector<16xi32>
      %convert_element_type3A_968 = arith.fptosi %mul3A_963 : vector<16xf32> to vector<16xi32>
      %min3A_969 = arith.constant 1023 : i32
      %min3A_970 = vector.broadcast %min3A_969 : i32 to vector<16xi32>
      %min3A_971 = arith.minsi %convert_element_type3A_968, %min3A_970 : vector<16xi32>
      %mul3A_972 = arith.constant 1024 : i32
      %mul3A_973 = vector.broadcast %mul3A_972 : i32 to vector<16xi32>
      %mul3A_974 = arith.muli %min3A_967, %mul3A_973 : vector<16xi32>
      %add3A_975 = arith.addi %mul3A_974, %min3A_971 : vector<16xi32>
      %swap3A_976 = arith.constant 208 : index
      %swap3A_977 = tpu.vector_load %arg9[%swap3A_976] {strides = array<i32>} : memref<256xi32, #tpu.memory_space<vmem>>, vector<16xi32>,
      %swap3A_978 = vector.shape_cast %swap3A_977 : vector<16xi32> to vector<16xi32>
      %swap3A_979 = vector.shape_cast %add3A_975 : vector<16xi32> to vector<16xi32>
      tpu.vector_store %arg9[%swap3A_976], %swap3A_979 {strides = array<i32>} : memref<256xi32, #tpu.memory_space<vmem>>, vector<16xi32>,
      %get3A_980 = arith.constant 224 : index
      %get3A_981 = tpu.vector_load %arg6[%get3A_980] {strides = array<i32>} : memref<256xf32, #tpu.memory_space<vmem>>, vector<16xf32>,
      %get3A_982 = vector.shape_cast %get3A_981 : vector<16xf32> to vector<16xf32>
      %mul3A_983 = arith.constant 1.024000e+03 : f32
      %mul3A_984 = vector.broadcast %mul3A_983 : f32 to vector<16xf32>
      %mul3A_985 = arith.mulf %get3A_982, %mul3A_984 : vector<16xf32>
      %get3A_986 = arith.constant 224 : index
      %get3A_987 = tpu.vector_load %arg7[%get3A_986] {strides = array<i32>} : memref<256xf32, #tpu.memory_space<vmem>>, vector<16xf32>,
      %get3A_988 = vector.shape_cast %get3A_987 : vector<16xf32> to vector<16xf32>
      %mul3A_989 = arith.constant 1.024000e+03 : f32
      %mul3A_990 = vector.broadcast %mul3A_989 : f32 to vector<16xf32>
      %mul3A_991 = arith.mulf %get3A_988, %mul3A_990 : vector<16xf32>
      %convert_element_type3A_992 = arith.fptosi %mul3A_985 : vector<16xf32> to vector<16xi32>
      %min3A_993 = arith.constant 1023 : i32
      %min3A_994 = vector.broadcast %min3A_993 : i32 to vector<16xi32>
      %min3A_995 = arith.minsi %convert_element_type3A_992, %min3A_994 : vector<16xi32>
      %convert_element_type3A_996 = arith.fptosi %mul3A_991 : vector<16xf32> to vector<16xi32>
      %min3A_997 = arith.constant 1023 : i32
      %min3A_998 = vector.broadcast %min3A_997 : i32 to vector<16xi32>
      %min3A_999 = arith.minsi %convert_element_type3A_996, %min3A_998 : vector<16xi32>
      %mul3A_1000 = arith.constant 1024 : i32
      %mul3A_1001 = vector.broadcast %mul3A_1000 : i32 to vector<16xi32>
      %mul3A_1002 = arith.muli %min3A_995, %mul3A_1001 : vector<16xi32>
      %add3A_1003 = arith.addi %mul3A_1002, %min3A_999 : vector<16xi32>
      %swap3A_1004 = arith.constant 224 : index
      %swap3A_1005 = tpu.vector_load %arg9[%swap3A_1004] {strides = array<i32>} : memref<256xi32, #tpu.memory_space<vmem>>, vector<16xi32>,
      %swap3A_1006 = vector.shape_cast %swap3A_1005 : vector<16xi32> to vector<16xi32>
      %swap3A_1007 = vector.shape_cast %add3A_1003 : vector<16xi32> to vector<16xi32>
      tpu.vector_store %arg9[%swap3A_1004], %swap3A_1007 {strides = array<i32>} : memref<256xi32, #tpu.memory_space<vmem>>, vector<16xi32>,
      %get3A_1008 = arith.constant 240 : index
      %get3A_1009 = tpu.vector_load %arg6[%get3A_1008] {strides = array<i32>} : memref<256xf32, #tpu.memory_space<vmem>>, vector<16xf32>,
      %get3A_1010 = vector.shape_cast %get3A_1009 : vector<16xf32> to vector<16xf32>
      %mul3A_1011 = arith.constant 1.024000e+03 : f32
      %mul3A_1012 = vector.broadcast %mul3A_1011 : f32 to vector<16xf32>
      %mul3A_1013 = arith.mulf %get3A_1010, %mul3A_1012 : vector<16xf32>
      %get3A_1014 = arith.constant 240 : index
      %get3A_1015 = tpu.vector_load %arg7[%get3A_1014] {strides = array<i32>} : memref<256xf32, #tpu.memory_space<vmem>>, vector<16xf32>,
      %get3A_1016 = vector.shape_cast %get3A_1015 : vector<16xf32> to vector<16xf32>
      %mul3A_1017 = arith.constant 1.024000e+03 : f32
      %mul3A_1018 = vector.broadcast %mul3A_1017 : f32 to vector<16xf32>
      %mul3A_1019 = arith.mulf %get3A_1016, %mul3A_1018 : vector<16xf32>
      %convert_element_type3A_1020 = arith.fptosi %mul3A_1013 : vector<16xf32> to vector<16xi32>
      %min3A_1021 = arith.constant 1023 : i32
      %min3A_1022 = vector.broadcast %min3A_1021 : i32 to vector<16xi32>
      %min3A_1023 = arith.minsi %convert_element_type3A_1020, %min3A_1022 : vector<16xi32>
      %convert_element_type3A_1024 = arith.fptosi %mul3A_1019 : vector<16xf32> to vector<16xi32>
      %min3A_1025 = arith.constant 1023 : i32
      %min3A_1026 = vector.broadcast %min3A_1025 : i32 to vector<16xi32>
      %min3A_1027 = arith.minsi %convert_element_type3A_1024, %min3A_1026 : vector<16xi32>
      %mul3A_1028 = arith.constant 1024 : i32
      %mul3A_1029 = vector.broadcast %mul3A_1028 : i32 to vector<16xi32>
      %mul3A_1030 = arith.muli %min3A_1023, %mul3A_1029 : vector<16xi32>
      %add3A_1031 = arith.addi %mul3A_1030, %min3A_1027 : vector<16xi32>
      %swap3A_1032 = arith.constant 240 : index
      %swap3A_1033 = tpu.vector_load %arg9[%swap3A_1032] {strides = array<i32>} : memref<256xi32, #tpu.memory_space<vmem>>, vector<16xi32>,
      %swap3A_1034 = vector.shape_cast %swap3A_1033 : vector<16xi32> to vector<16xi32>
      %swap3A_1035 = vector.shape_cast %add3A_1031 : vector<16xi32> to vector<16xi32>
      tpu.vector_store %arg9[%swap3A_1032], %swap3A_1035 {strides = array<i32>} : memref<256xi32, #tpu.memory_space<vmem>>, vector<16xi32>,
      %dma_start3A_1036 = arith.constant 0 : i32
      %dma_start3A_1037 = arith.constant 0 : i32
      %dma_start3A_1038 = tpu.memref_slice %arg11[%dma_start3A_1036, %dma_start3A_1037] : memref<256x64xf32, #tpu.memory_space<vmem>> -> memref<128x64xf32, #tpu.memory_space<vmem>>
      %dma_start3A_1039 = arith.constant 0 : i32
      %dma_start3A_1040 = tpu.memref_slice %arg9[%dma_start3A_1039] : memref<256xi32, #tpu.memory_space<vmem>> -> memref<128xi32, #tpu.memory_space<vmem>>
      %dma_start3A_1041 = arith.constant 0 : i32
      %dma_start3A_1042 = arith.constant 0 : i32
      %dma_start3A_1043 = tpu.memref_slice %arg4[%dma_start3A_1041, %dma_start3A_1042] : memref<1048576x64xf32, #tpu.memory_space<hbm>> -> memref<1048576x64xf32, #tpu.memory_space<hbm>>
      tpu.enqueue_indirect_dma source(%dma_start3A_1043 : memref<1048576x64xf32, #tpu.memory_space<hbm>>) target(%dma_start3A_1038 : memref<128x64xf32, #tpu.memory_space<vmem>>) offsets(%dma_start3A_1040 : memref<128xi32, #tpu.memory_space<vmem>>) semaphore(%arg14 : memref<!tpu.dma_semaphore, #tpu.memory_space<semaphore_mem>>)
      %dma_start3A_1044 = arith.constant 128 : i32
      %dma_start3A_1045 = arith.constant 0 : i32
      %dma_start3A_1046 = tpu.memref_slice %arg11[%dma_start3A_1044, %dma_start3A_1045] : memref<256x64xf32, #tpu.memory_space<vmem>> -> memref<128x64xf32, #tpu.memory_space<vmem>>
      %dma_start3A_1047 = arith.constant 128 : i32
      %dma_start3A_1048 = tpu.memref_slice %arg9[%dma_start3A_1047] : memref<256xi32, #tpu.memory_space<vmem>> -> memref<128xi32, #tpu.memory_space<vmem>>
      %dma_start3A_1049 = arith.constant 0 : i32
      %dma_start3A_1050 = arith.constant 0 : i32
      %dma_start3A_1051 = tpu.memref_slice %arg4[%dma_start3A_1049, %dma_start3A_1050] : memref<1048576x64xf32, #tpu.memory_space<hbm>> -> memref<1048576x64xf32, #tpu.memory_space<hbm>>
      tpu.enqueue_indirect_dma source(%dma_start3A_1051 : memref<1048576x64xf32, #tpu.memory_space<hbm>>) target(%dma_start3A_1046 : memref<128x64xf32, #tpu.memory_space<vmem>>) offsets(%dma_start3A_1048 : memref<128xi32, #tpu.memory_space<vmem>>) semaphore(%arg14 : memref<!tpu.dma_semaphore, #tpu.memory_space<semaphore_mem>>)
      %gt3A_1052 = arith.constant 0 : i32
      %gt3A_1053 = arith.cmpi sgt, %add3A_569, %gt3A_1052 : i32
      %convert_element_type3A_1054 = arith.extui %gt3A_1053 : i1 to i32
      %cond3A_1055 = arith.constant 0 : i32
      %cond3A_1056 = arith.cmpi ne, %convert_element_type3A_1054, %cond3A_1055 : i32
      scf.if %cond3A_1056 {
        %dma_wait3A_1057 = arith.constant 0 : i32
        %dma_wait3A_1058 = arith.constant 0 : i32
        %dma_wait3A_1059 = tpu.memref_slice %arg10[%dma_wait3A_1057, %dma_wait3A_1058] : memref<256x64xf32, #tpu.memory_space<vmem>> -> memref<128x64xf32, #tpu.memory_space<vmem>>
        %dma_wait3A_1060 = arith.constant 0 : i32
        %dma_wait3A_1061 = arith.constant 0 : i32
        %dma_wait3A_1062 = tpu.memref_slice %arg4[%dma_wait3A_1060, %dma_wait3A_1061] : memref<1048576x64xf32, #tpu.memory_space<hbm>> -> memref<128x64xf32, #tpu.memory_space<hbm>>
        %dma_wait3A_1063 = arith.constant 0 : i32
        %dma_wait3A_1064 = arith.constant 0 : i32
        %dma_wait3A_1065 = tpu.memref_slice %arg10[%dma_wait3A_1063, %dma_wait3A_1064] : memref<256x64xf32, #tpu.memory_space<vmem>> -> memref<128x64xf32, #tpu.memory_space<vmem>>
        %dma_wait3A_1066 = arith.constant 0 : i32
        %dma_wait3A_1067 = arith.constant 0 : i32
        %dma_wait3A_1068 = tpu.memref_slice %arg4[%dma_wait3A_1066, %dma_wait3A_1067] : memref<1048576x64xf32, #tpu.memory_space<hbm>> -> memref<128x64xf32, #tpu.memory_space<hbm>>
        tpu.wait_dma2 semaphore(%arg13 : memref<!tpu.dma_semaphore, #tpu.memory_space<semaphore_mem>>) src(%dma_wait3A_1068 : memref<128x64xf32, #tpu.memory_space<hbm>>) dst(%dma_wait3A_1065 : memref<128x64xf32, #tpu.memory_space<vmem>>)
        %dma_wait3A_1069 = arith.constant 128 : i32
        %dma_wait3A_1070 = arith.constant 0 : i32
        %dma_wait3A_1071 = tpu.memref_slice %arg10[%dma_wait3A_1069, %dma_wait3A_1070] : memref<256x64xf32, #tpu.memory_space<vmem>> -> memref<128x64xf32, #tpu.memory_space<vmem>>
        %dma_wait3A_1072 = arith.constant 0 : i32
        %dma_wait3A_1073 = arith.constant 0 : i32
        %dma_wait3A_1074 = tpu.memref_slice %arg4[%dma_wait3A_1072, %dma_wait3A_1073] : memref<1048576x64xf32, #tpu.memory_space<hbm>> -> memref<128x64xf32, #tpu.memory_space<hbm>>
        %dma_wait3A_1075 = arith.constant 128 : i32
        %dma_wait3A_1076 = arith.constant 0 : i32
        %dma_wait3A_1077 = tpu.memref_slice %arg10[%dma_wait3A_1075, %dma_wait3A_1076] : memref<256x64xf32, #tpu.memory_space<vmem>> -> memref<128x64xf32, #tpu.memory_space<vmem>>
        %dma_wait3A_1078 = arith.constant 0 : i32
        %dma_wait3A_1079 = arith.constant 0 : i32
        %dma_wait3A_1080 = tpu.memref_slice %arg4[%dma_wait3A_1078, %dma_wait3A_1079] : memref<1048576x64xf32, #tpu.memory_space<hbm>> -> memref<128x64xf32, #tpu.memory_space<hbm>>
        tpu.wait_dma2 semaphore(%arg13 : memref<!tpu.dma_semaphore, #tpu.memory_space<semaphore_mem>>) src(%dma_wait3A_1080 : memref<128x64xf32, #tpu.memory_space<hbm>>) dst(%dma_wait3A_1077 : memref<128x64xf32, #tpu.memory_space<vmem>>)
        %sub3A_1081 = arith.constant 1 : i32
        %sub3A_1082 = arith.subi %add3A_569, %sub3A_1081 : i32
        %mul3A_1083 = arith.constant 64 : i32
        %mul3A_1084 = arith.muli %add3A, %mul3A_1083 : i32
        %add3A_1085 = arith.addi %mul3A_1084, %sub3A_1082 : i32
        %jit3A_1086 = arith.constant 2 : i32
        %div3A_1087 = arith.divsi %add3A_1085, %jit3A_1086 : i32
        %sign3A_1088 = arith.constant 0 : i32
        %sign3A_1089 = arith.cmpi sgt, %add3A_1085, %sign3A_1088 : i32
        %sign3A_1090 = arith.extui %sign3A_1089 : i1 to i32
        %sign3A_1091 = arith.constant 0 : i32
        %sign3A_1092 = arith.cmpi slt, %add3A_1085, %sign3A_1091 : i32
        %sign3A_1093 = arith.extui %sign3A_1092 : i1 to i32
        %sign3A_1094 = arith.subi %sign3A_1090, %sign3A_1093 : i32
        %sign3A_1095 = arith.constant 0 : i32
        %sign3A_1096 = arith.cmpi sgt, %jit3A_1086, %sign3A_1095 : i32
        %sign3A_1097 = arith.extui %sign3A_1096 : i1 to i32
        %sign3A_1098 = arith.constant 0 : i32
        %sign3A_1099 = arith.cmpi slt, %jit3A_1086, %sign3A_1098 : i32
        %sign3A_1100 = arith.extui %sign3A_1099 : i1 to i32
        %sign3A_1101 = arith.subi %sign3A_1097, %sign3A_1100 : i32
        %ne3A_1102 = arith.cmpi ne, %sign3A_1094, %sign3A_1101 : i32
        %rem3A_1103 = arith.remsi %add3A_1085, %jit3A_1086 : i32
        %ne3A_1104 = arith.constant 0 : i32
        %ne3A_1105 = arith.cmpi ne, %rem3A_1103, %ne3A_1104 : i32
        %and3A_1106 = arith.andi %ne3A_1102, %ne3A_1105 : i1
        %sub3A_1107 = arith.constant 1 : i32
        %sub3A_1108 = arith.subi %div3A_1087, %sub3A_1107 : i32
        %select_n3A_1109 = arith.select %and3A_1106, %sub3A_1108, %div3A_1087 : i32
        %jit3A_1110 = arith.constant 2 : i32
        %eq3A_1111 = arith.constant 0 : i32
        %eq3A_1112 = arith.cmpi eq, %jit3A_1110, %eq3A_1111 : i32
        %jit3A_1113 = arith.constant 1 : i32
        %select_n3A_1114 = arith.select %eq3A_1112, %jit3A_1113, %jit3A_1110 : i32
        %rem3A_1115 = arith.remsi %add3A_1085, %select_n3A_1114 : i32
        %ne3A_1116 = arith.constant 0 : i32
        %ne3A_1117 = arith.cmpi ne, %rem3A_1115, %ne3A_1116 : i32
        %lt3A_1118 = arith.constant 0 : i32
        %lt3A_1119 = arith.cmpi slt, %rem3A_1115, %lt3A_1118 : i32
        %lt3A_1120 = arith.constant 0 : i32
        %lt3A_1121 = arith.cmpi slt, %select_n3A_1114, %lt3A_1120 : i32
        %ne3A_1122 = arith.xori %lt3A_1119, %lt3A_1121 : i1
        %and3A_1123 = arith.andi %ne3A_1122, %ne3A_1117 : i1
        %add3A_1124 = arith.addi %rem3A_1115, %select_n3A_1114 : i32
        %select_n3A_1125 = arith.select %and3A_1123, %add3A_1124, %rem3A_1115 : i32
        %mul3A_1126 = arith.constant 256 : i32
        %mul3A_1127 = arith.muli %select_n3A_1109, %mul3A_1126 : i32
        %mul3A_1128 = arith.constant 64 : i32
        %mul3A_1129 = arith.muli %select_n3A_1125, %mul3A_1128 : i32
        %dma_start3A_1130 = tpu.memref_slice %arg5[%mul3A_1127, %mul3A_1129] : memref<262144x128xf32, #tpu.memory_space<hbm>> -> memref<256x64xf32, #tpu.memory_space<hbm>>
        %dma_start3A_1131 = tpu.memref_slice %arg5[%mul3A_1127, %mul3A_1129] : memref<262144x128xf32, #tpu.memory_space<hbm>> -> memref<256x64xf32, #tpu.memory_space<hbm>>
        tpu.enqueue_dma source(%arg10 : memref<256x64xf32, #tpu.memory_space<vmem>>) target(%dma_start3A_1131 : memref<256x64xf32, #tpu.memory_space<hbm>>) target_semaphore(%arg15 : memref<!tpu.dma_semaphore, #tpu.memory_space<semaphore_mem>>)
      } else {
      }
    }
    %scan3A_5 = arith.constant 32 : i32
    %dma_wait3A = arith.constant 0 : i32
    %dma_wait3A_6 = arith.constant 0 : i32
    %dma_wait3A_7 = tpu.memref_slice %arg11[%dma_wait3A, %dma_wait3A_6] : memref<256x64xf32, #tpu.memory_space<vmem>> -> memref<128x64xf32, #tpu.memory_space<vmem>>
    %dma_wait3A_8 = arith.constant 0 : i32
    %dma_wait3A_9 = arith.constant 0 : i32
    %dma_wait3A_10 = tpu.memref_slice %arg4[%dma_wait3A_8, %dma_wait3A_9] : memref<1048576x64xf32, #tpu.memory_space<hbm>> -> memref<128x64xf32, #tpu.memory_space<hbm>>
    %dma_wait3A_11 = arith.constant 0 : i32
    %dma_wait3A_12 = arith.constant 0 : i32
    %dma_wait3A_13 = tpu.memref_slice %arg11[%dma_wait3A_11, %dma_wait3A_12] : memref<256x64xf32, #tpu.memory_space<vmem>> -> memref<128x64xf32, #tpu.memory_space<vmem>>
    %dma_wait3A_14 = arith.constant 0 : i32
    %dma_wait3A_15 = arith.constant 0 : i32
    %dma_wait3A_16 = tpu.memref_slice %arg4[%dma_wait3A_14, %dma_wait3A_15] : memref<1048576x64xf32, #tpu.memory_space<hbm>> -> memref<128x64xf32, #tpu.memory_space<hbm>>
    tpu.wait_dma2 semaphore(%arg14 : memref<!tpu.dma_semaphore, #tpu.memory_space<semaphore_mem>>) src(%dma_wait3A_16 : memref<128x64xf32, #tpu.memory_space<hbm>>) dst(%dma_wait3A_13 : memref<128x64xf32, #tpu.memory_space<vmem>>)
    %dma_wait3A_17 = arith.constant 128 : i32
    %dma_wait3A_18 = arith.constant 0 : i32
    %dma_wait3A_19 = tpu.memref_slice %arg11[%dma_wait3A_17, %dma_wait3A_18] : memref<256x64xf32, #tpu.memory_space<vmem>> -> memref<128x64xf32, #tpu.memory_space<vmem>>
    %dma_wait3A_20 = arith.constant 0 : i32
    %dma_wait3A_21 = arith.constant 0 : i32
    %dma_wait3A_22 = tpu.memref_slice %arg4[%dma_wait3A_20, %dma_wait3A_21] : memref<1048576x64xf32, #tpu.memory_space<hbm>> -> memref<128x64xf32, #tpu.memory_space<hbm>>
    %dma_wait3A_23 = arith.constant 128 : i32
    %dma_wait3A_24 = arith.constant 0 : i32
    %dma_wait3A_25 = tpu.memref_slice %arg11[%dma_wait3A_23, %dma_wait3A_24] : memref<256x64xf32, #tpu.memory_space<vmem>> -> memref<128x64xf32, #tpu.memory_space<vmem>>
    %dma_wait3A_26 = arith.constant 0 : i32
    %dma_wait3A_27 = arith.constant 0 : i32
    %dma_wait3A_28 = tpu.memref_slice %arg4[%dma_wait3A_26, %dma_wait3A_27] : memref<1048576x64xf32, #tpu.memory_space<hbm>> -> memref<128x64xf32, #tpu.memory_space<hbm>>
    tpu.wait_dma2 semaphore(%arg14 : memref<!tpu.dma_semaphore, #tpu.memory_space<semaphore_mem>>) src(%dma_wait3A_28 : memref<128x64xf32, #tpu.memory_space<hbm>>) dst(%dma_wait3A_25 : memref<128x64xf32, #tpu.memory_space<vmem>>)
    %mul3A_29 = arith.constant 64 : i32
    %mul3A_30 = arith.muli %add3A, %mul3A_29 : i32
    %add3A_31 = arith.constant 63 : i32
    %add3A_32 = arith.addi %mul3A_30, %add3A_31 : i32
    %jit3A = arith.constant 2 : i32
    %div3A = arith.divsi %add3A_32, %jit3A : i32
    %sign3A = arith.constant 0 : i32
    %sign3A_33 = arith.cmpi sgt, %add3A_32, %sign3A : i32
    %sign3A_34 = arith.extui %sign3A_33 : i1 to i32
    %sign3A_35 = arith.constant 0 : i32
    %sign3A_36 = arith.cmpi slt, %add3A_32, %sign3A_35 : i32
    %sign3A_37 = arith.extui %sign3A_36 : i1 to i32
    %sign3A_38 = arith.subi %sign3A_34, %sign3A_37 : i32
    %sign3A_39 = arith.constant 0 : i32
    %sign3A_40 = arith.cmpi sgt, %jit3A, %sign3A_39 : i32
    %sign3A_41 = arith.extui %sign3A_40 : i1 to i32
    %sign3A_42 = arith.constant 0 : i32
    %sign3A_43 = arith.cmpi slt, %jit3A, %sign3A_42 : i32
    %sign3A_44 = arith.extui %sign3A_43 : i1 to i32
    %sign3A_45 = arith.subi %sign3A_41, %sign3A_44 : i32
    %ne3A = arith.cmpi ne, %sign3A_38, %sign3A_45 : i32
    %rem3A = arith.remsi %add3A_32, %jit3A : i32
    %ne3A_46 = arith.constant 0 : i32
    %ne3A_47 = arith.cmpi ne, %rem3A, %ne3A_46 : i32
    %and3A = arith.andi %ne3A, %ne3A_47 : i1
    %sub3A = arith.constant 1 : i32
    %sub3A_48 = arith.subi %div3A, %sub3A : i32
    %select_n3A = arith.select %and3A, %sub3A_48, %div3A : i32
    %jit3A_49 = arith.constant 2 : i32
    %eq3A = arith.constant 0 : i32
    %eq3A_50 = arith.cmpi eq, %jit3A_49, %eq3A : i32
    %jit3A_51 = arith.constant 1 : i32
    %select_n3A_52 = arith.select %eq3A_50, %jit3A_51, %jit3A_49 : i32
    %rem3A_53 = arith.remsi %add3A_32, %select_n3A_52 : i32
    %ne3A_54 = arith.constant 0 : i32
    %ne3A_55 = arith.cmpi ne, %rem3A_53, %ne3A_54 : i32
    %lt3A = arith.constant 0 : i32
    %lt3A_56 = arith.cmpi slt, %rem3A_53, %lt3A : i32
    %lt3A_57 = arith.constant 0 : i32
    %lt3A_58 = arith.cmpi slt, %select_n3A_52, %lt3A_57 : i32
    %ne3A_59 = arith.xori %lt3A_56, %lt3A_58 : i1
    %and3A_60 = arith.andi %ne3A_59, %ne3A_55 : i1
    %add3A_61 = arith.addi %rem3A_53, %select_n3A_52 : i32
    %select_n3A_62 = arith.select %and3A_60, %add3A_61, %rem3A_53 : i32
    %mul3A_63 = arith.constant 256 : i32
    %mul3A_64 = arith.muli %select_n3A, %mul3A_63 : i32
    %mul3A_65 = arith.constant 64 : i32
    %mul3A_66 = arith.muli %select_n3A_62, %mul3A_65 : i32
    %dma_start3A = tpu.memref_slice %arg5[%mul3A_64, %mul3A_66] : memref<262144x128xf32, #tpu.memory_space<hbm>> -> memref<256x64xf32, #tpu.memory_space<hbm>>
    %dma_start3A_67 = tpu.memref_slice %arg5[%mul3A_64, %mul3A_66] : memref<262144x128xf32, #tpu.memory_space<hbm>> -> memref<256x64xf32, #tpu.memory_space<hbm>>
    tpu.enqueue_dma source(%arg11 : memref<256x64xf32, #tpu.memory_space<vmem>>) target(%dma_start3A_67 : memref<256x64xf32, #tpu.memory_space<hbm>>) target_semaphore(%arg16 : memref<!tpu.dma_semaphore, #tpu.memory_space<semaphore_mem>>)
    %dma_wait3A_68 = arith.constant 0 : i32
    %dma_wait3A_69 = arith.constant 0 : i32
    %dma_wait3A_70 = tpu.memref_slice %arg5[%dma_wait3A_68, %dma_wait3A_69] : memref<262144x128xf32, #tpu.memory_space<hbm>> -> memref<256x64xf32, #tpu.memory_space<hbm>>
    %dma_wait3A_71 = arith.constant 0 : i32
    %dma_wait3A_72 = arith.constant 0 : i32
    %dma_wait3A_73 = tpu.memref_slice %arg5[%dma_wait3A_71, %dma_wait3A_72] : memref<262144x128xf32, #tpu.memory_space<hbm>> -> memref<256x64xf32, #tpu.memory_space<hbm>>
    tpu.wait_dma2 semaphore(%arg15 : memref<!tpu.dma_semaphore, #tpu.memory_space<semaphore_mem>>) src(%arg10 : memref<256x64xf32, #tpu.memory_space<vmem>>) dst(%dma_wait3A_73 : memref<256x64xf32, #tpu.memory_space<hbm>>)
    %dma_wait3A_74 = arith.constant 0 : i32
    %dma_wait3A_75 = arith.constant 0 : i32
    %dma_wait3A_76 = tpu.memref_slice %arg5[%dma_wait3A_74, %dma_wait3A_75] : memref<262144x128xf32, #tpu.memory_space<hbm>> -> memref<256x64xf32, #tpu.memory_space<hbm>>
    %dma_wait3A_77 = arith.constant 0 : i32
    %dma_wait3A_78 = arith.constant 0 : i32
    %dma_wait3A_79 = tpu.memref_slice %arg5[%dma_wait3A_77, %dma_wait3A_78] : memref<262144x128xf32, #tpu.memory_space<hbm>> -> memref<256x64xf32, #tpu.memory_space<hbm>>
    tpu.wait_dma2 semaphore(%arg16 : memref<!tpu.dma_semaphore, #tpu.memory_space<semaphore_mem>>) src(%arg11 : memref<256x64xf32, #tpu.memory_space<vmem>>) dst(%dma_wait3A_79 : memref<256x64xf32, #tpu.memory_space<hbm>>)
    return
  }
}

module attributes {stable_mosaic.version = 14 : i64} {
  func.func @_tc_body(%arg0: i32, %arg1: memref<1024x128xf32, #tpu.memory_space<vmem>>, %arg2: memref<16x2048xf32, #tpu.memory_space<vmem>>, %arg3: memref<80x2048xf32, #tpu.memory_space<vmem>>) attributes {dimension_semantics = [#tpu.dimension_semantics<arbitrary>], iteration_bounds = array<i64: 256>, scalar_prefetch = 0 : i64, scratch_operands = 0 : i64, tpu.core_type = #tpu.core_type<tc>, window_params = [{transform_indices = @transform_0, window_bounds = array<i64: 1024, 128>}, {transform_indices = @transform_1, window_bounds = array<i64: 16, 2048>}, {transform_indices = @transform_2, window_bounds = array<i64: 80, 2048>}]} {
    %get3A = arith.constant 0 : index
    %get3A_0 = arith.constant 0 : index
    %get3A_1 = vector.load %arg1[%get3A, %get3A_0] : memref<1024x128xf32, #tpu.memory_space<vmem>>, vector<1024x128xf32>
    %bitcast_convert_type3A = tpu.bitcast %get3A_1 : vector<1024x128xf32> -> vector<1024x128xi32>
    %shift_right_logical3A = arith.constant 16 : i32
    %shift_right_logical3A_2 = vector.broadcast %shift_right_logical3A : i32 to vector<1024x128xi32>
    %shift_right_logical3A_3 = arith.shrui %bitcast_convert_type3A, %shift_right_logical3A_2 : vector<1024x128xi32>
    %convert_element_type3A = arith.trunci %shift_right_logical3A_3 : vector<1024x128xi32> to vector<1024x128xi16>
    %convert_element_type3A_4 = arith.trunci %bitcast_convert_type3A : vector<1024x128xi32> to vector<1024x128xi16>
    %transpose3A = tpu.transpose %convert_element_type3A, [1, 0] : vector<1024x128xi16> -> vector<128x1024xi16>
    %convert_element_type3A_5 = arith.extui %transpose3A : vector<128x1024xi16> to vector<128x1024xi32>
    %transpose3A_6 = tpu.transpose %convert_element_type3A_4, [1, 0] : vector<1024x128xi16> -> vector<128x1024xi16>
    %convert_element_type3A_7 = arith.extui %transpose3A_6 : vector<128x1024xi16> to vector<128x1024xi32>
    %shift_left3A = arith.constant 16 : i32
    %shift_left3A_8 = vector.broadcast %shift_left3A : i32 to vector<128x1024xi32>
    %shift_left3A_9 = arith.shli %convert_element_type3A_5, %shift_left3A_8 : vector<128x1024xi32>
    %or3A = arith.ori %shift_left3A_9, %convert_element_type3A_7 : vector<128x1024xi32>
    %bitcast_convert_type3A_10 = tpu.bitcast %or3A : vector<128x1024xi32> -> vector<128x1024xf32>
    %get3A_11 = arith.constant 0 : index
    %get3A_12 = arith.constant 0 : index
    %get3A_13 = vector.load %arg2[%get3A_11, %get3A_12] : memref<16x2048xf32, #tpu.memory_space<vmem>>, vector<16x2048xf32>
    %swap3A = arith.constant 0 : index
    %swap3A_14 = arith.constant 0 : index
    %swap3A_15 = vector.load %arg3[%swap3A, %swap3A_14] : memref<80x2048xf32, #tpu.memory_space<vmem>>, vector<16x2048xf32>
    tpu.vector_store %arg3[%swap3A, %swap3A_14], %get3A_13 {strides = array<i32>} : memref<80x2048xf32, #tpu.memory_space<vmem>>, vector<16x2048xf32>,
    %slice3A = vector.extract_strided_slice %bitcast_convert_type3A_10 {offsets = [0, 0], sizes = [64, 256], strides = [1, 1]} : vector<128x1024xf32> to vector<64x256xf32>
    %swap3A_16 = arith.constant 16 : index
    %swap3A_17 = arith.constant 0 : index
    %swap3A_18 = vector.load %arg3[%swap3A_16, %swap3A_17] : memref<80x2048xf32, #tpu.memory_space<vmem>>, vector<64x256xf32>
    tpu.vector_store %arg3[%swap3A_16, %swap3A_17], %slice3A {strides = array<i32>} : memref<80x2048xf32, #tpu.memory_space<vmem>>, vector<64x256xf32>,
    %slice3A_19 = vector.extract_strided_slice %bitcast_convert_type3A_10 {offsets = [64, 0], sizes = [64, 256], strides = [1, 1]} : vector<128x1024xf32> to vector<64x256xf32>
    %swap3A_20 = arith.constant 16 : index
    %swap3A_21 = arith.constant 256 : index
    %swap3A_22 = vector.load %arg3[%swap3A_20, %swap3A_21] : memref<80x2048xf32, #tpu.memory_space<vmem>>, vector<64x256xf32>
    tpu.vector_store %arg3[%swap3A_20, %swap3A_21], %slice3A_19 {strides = array<i32>} : memref<80x2048xf32, #tpu.memory_space<vmem>>, vector<64x256xf32>,
    %slice3A_23 = vector.extract_strided_slice %bitcast_convert_type3A_10 {offsets = [0, 256], sizes = [64, 256], strides = [1, 1]} : vector<128x1024xf32> to vector<64x256xf32>
    %swap3A_24 = arith.constant 16 : index
    %swap3A_25 = arith.constant 512 : index
    %swap3A_26 = vector.load %arg3[%swap3A_24, %swap3A_25] : memref<80x2048xf32, #tpu.memory_space<vmem>>, vector<64x256xf32>
    tpu.vector_store %arg3[%swap3A_24, %swap3A_25], %slice3A_23 {strides = array<i32>} : memref<80x2048xf32, #tpu.memory_space<vmem>>, vector<64x256xf32>,
    %slice3A_27 = vector.extract_strided_slice %bitcast_convert_type3A_10 {offsets = [64, 256], sizes = [64, 256], strides = [1, 1]} : vector<128x1024xf32> to vector<64x256xf32>
    %swap3A_28 = arith.constant 16 : index
    %swap3A_29 = arith.constant 768 : index
    %swap3A_30 = vector.load %arg3[%swap3A_28, %swap3A_29] : memref<80x2048xf32, #tpu.memory_space<vmem>>, vector<64x256xf32>
    tpu.vector_store %arg3[%swap3A_28, %swap3A_29], %slice3A_27 {strides = array<i32>} : memref<80x2048xf32, #tpu.memory_space<vmem>>, vector<64x256xf32>,
    %slice3A_31 = vector.extract_strided_slice %bitcast_convert_type3A_10 {offsets = [0, 512], sizes = [64, 256], strides = [1, 1]} : vector<128x1024xf32> to vector<64x256xf32>
    %swap3A_32 = arith.constant 16 : index
    %swap3A_33 = arith.constant 1024 : index
    %swap3A_34 = vector.load %arg3[%swap3A_32, %swap3A_33] : memref<80x2048xf32, #tpu.memory_space<vmem>>, vector<64x256xf32>
    tpu.vector_store %arg3[%swap3A_32, %swap3A_33], %slice3A_31 {strides = array<i32>} : memref<80x2048xf32, #tpu.memory_space<vmem>>, vector<64x256xf32>,
    %slice3A_35 = vector.extract_strided_slice %bitcast_convert_type3A_10 {offsets = [64, 512], sizes = [64, 256], strides = [1, 1]} : vector<128x1024xf32> to vector<64x256xf32>
    %swap3A_36 = arith.constant 16 : index
    %swap3A_37 = arith.constant 1280 : index
    %swap3A_38 = vector.load %arg3[%swap3A_36, %swap3A_37] : memref<80x2048xf32, #tpu.memory_space<vmem>>, vector<64x256xf32>
    tpu.vector_store %arg3[%swap3A_36, %swap3A_37], %slice3A_35 {strides = array<i32>} : memref<80x2048xf32, #tpu.memory_space<vmem>>, vector<64x256xf32>,
    %slice3A_39 = vector.extract_strided_slice %bitcast_convert_type3A_10 {offsets = [0, 768], sizes = [64, 256], strides = [1, 1]} : vector<128x1024xf32> to vector<64x256xf32>
    %swap3A_40 = arith.constant 16 : index
    %swap3A_41 = arith.constant 1536 : index
    %swap3A_42 = vector.load %arg3[%swap3A_40, %swap3A_41] : memref<80x2048xf32, #tpu.memory_space<vmem>>, vector<64x256xf32>
    tpu.vector_store %arg3[%swap3A_40, %swap3A_41], %slice3A_39 {strides = array<i32>} : memref<80x2048xf32, #tpu.memory_space<vmem>>, vector<64x256xf32>,
    %slice3A_43 = vector.extract_strided_slice %bitcast_convert_type3A_10 {offsets = [64, 768], sizes = [64, 256], strides = [1, 1]} : vector<128x1024xf32> to vector<64x256xf32>
    %swap3A_44 = arith.constant 16 : index
    %swap3A_45 = arith.constant 1792 : index
    %swap3A_46 = vector.load %arg3[%swap3A_44, %swap3A_45] : memref<80x2048xf32, #tpu.memory_space<vmem>>, vector<64x256xf32>
    tpu.vector_store %arg3[%swap3A_44, %swap3A_45], %slice3A_43 {strides = array<i32>} : memref<80x2048xf32, #tpu.memory_space<vmem>>, vector<64x256xf32>,
    return
  }
  func.func @transform_0(%arg0: i32) -> (i32, i32) {
    %c0_i32 = arith.constant 0 : i32
    %c0_i32_0 = arith.constant 0 : i32
    return %arg0, %c0_i32 : i32, i32
  }
  func.func @transform_1(%arg0: i32) -> (i32, i32) {
    %c0_i32 = arith.constant 0 : i32
    %c0_i32_0 = arith.constant 0 : i32
    return %c0_i32, %arg0 : i32, i32
  }
  func.func @transform_2(%arg0: i32) -> (i32, i32) {
    %c0_i32 = arith.constant 0 : i32
    %c0_i32_0 = arith.constant 0 : i32
    return %c0_i32, %arg0 : i32, i32
  }
}

</mosaic_0001>

<sc_bundles>
// kernel: _nlb.4.cloned.1.call-start
scs
__scs_entry_jumppad:
0x0: {  	(pc) =	sbr.rel $0x88, $3  }
0x1: {  	(tag) =	ssettag $0x0;
	lr =	simm.s32 $0x1  }
0x2: {  	[smem:$0x3F9D] =	sst lr;
	_ =	strace $0xD0000000  }
0x3: {  	_ = 	snop  }
0x4: {  	_ = 	snop  }
0x5: {  	_ = 	snop  }
0x6: {  	_ = 	snop  }
0x7: {  	_ = 	snop  }
__scs_overlays_trampoline_lowered:
0x8: {  	[smem:$0x3FAC] =	sst s0  }
0x9: {  	[smem:$0x3FAD] =	sst s1  }
0xa: {  	[smem:$0x3FAE] =	sst s2  }
0xb: {  	[smem:$0x3FAF] =	sst s3  }
0xc: {  	[smem:$0x3FB0] =	sst s4  }
0xd: {  	[smem:$0x3FB1] =	sst s5  }
0xe: {  	[smem:$0x3FB2] =	sst s6  }
0xf: {  	[smem:$0x3FB3] =	sst s7  }
0x10: {  	[smem:$0x3FB4] =	sst s8  }
0x11: {  	[smem:$0x3FB5] =	sst s9;
	s0 =	simm.s32 @!p0 $0x0  }
0x12: {  	s1 =	sld [smem:$0x3F9B];
	s0 =	simm.s32 @p0 $0x1  }
0x13: {  	[smem:$0x3FB6] =	sst s0;
	s0 =	simm.s32 @!p1 $0x0  }
0x14: {  	s2 =	sld [smem:$0x3F9A];
	s0 =	simm.s32 @p1 $0x1  }
0x15: {  	[smem:$0x3FB7] =	sst s0;
	s0 =	simm.s32 @!p2 $0x0  }
0x16: {  	s3 =	sld [smem:$0x3FDB];
	s0 =	simm.s32 @p2 $0x1  }
0x17: {  	s4 =	simm.s32 $0x1BF5;
	[smem:$0x3FB9] =	sst s0  }
0x18: {  	s0 =	sld [smem:$0x3F9C];
	_ =	swait.ge [sflag:s4], $0x0  }
0x19: {  	s7 =	sld [smem:$0x3F9D]  }
0x1a: {  	s8 =	sadd.s32 $0xFFFFE003, lr  }
0x1b: {  	s9 =	sadd.s32 $0xFFFFFEF7, lr;
	s5 =	simm.s32 $0xFFFFFFFF;
	p2 =	slt.u32 s8, $0xFFFFF086  }
0x1c: {  	p1 =	slt.u32 s9, $0xF7A;
	s5 =	simm.s32 @!p2 $0x0  }
0x1d: {  	s5 =	simm.s32 @p1 $0x1;
	p0 =	seq.s32 s7, s2  }
0x1e: {  	s7 =	smul.u32 @!p0 $0xF7A, s2;
	p2 =	seq.s32 @!p0 s5, $0x0  }
0x1f: {  	s9 =	smul.u32 $0xF7A, s1;
	s8 =	simm.s32 @!p0 $0x1BF5;
	p2 =	por !p2, p0  }
0x20: {  	[sflag:s8] =	ssyncset.s32 @!p0 $0xFFFFF086;
	s6 =	sadd.s32 @!p0 s3, s7;
	s7 =	simm.s32 @!p0 $0x108  }
0x21: {  	s3 =	sadd.s32 s3, s9;
	s6 =	sadd.s32 @!p0 $0x88, s6;
	s7 =	simm.s32 @p2 $0x1082  }
0x22: {  	[simem:s7], [sflag:s8] =	dma.local @!p0 [hbm:s6], $0xF7A  }
0x23: {  	s9 =	sor.u32 $0xD0000000, s2;
	s6 =	simm.s32 $0x108;
	_ =	swait.ge @!p0 [sflag:s8], $0x0  }
0x24: {  	s3 =	sadd.s32 $0x88, s3;
	s6 =	simm.s32 @!p1 $0x1082;
	[sflag:s4] =	ssyncset.s32 $0xFFFFF086  }
0x25: {  	[simem:s6], [sflag:s4] =	dma.local [hbm:s3], $0xF7A  }
0x26: {  	[smem:$0x3F9D] =	sst s1;
	(tag) =	ssettag s2;
	_ =	strace s9  }
0x27: {  	s1 =	sld [smem:$0x3FAD]  }
0x28: {  	s2 =	sld [smem:$0x3FAE]  }
0x29: {  	s4 =	sld [smem:$0x3FB0]  }
0x2a: {  	p0 =	seq.s32 s5, $0x0;
	s5 =	sld [smem:$0x3FB1]  }
0x2b: {  	s6 =	sld [smem:$0x3FB2]  }
0x2c: {  	s7 =	sld [smem:$0x3FB3]  }
0x2d: {  	s3 =	simm.s32 $0x108;
	s8 =	sld [smem:$0x3FB4]  }
0x2e: {  	s3 =	simm.s32 @!p0 $0x1082;
	s9 =	sld [smem:$0x3FB5]  }
0x2f: {  	lr =	sadd.s32 s0, s3;
	s0 =	sld [smem:$0x3FAC]  }
0x30: {  	s3 =	sld [smem:$0x3FAF]  }
0x31: {  	[smem:$0x3FB8] =	sst s10  }
0x32: {  	s10 =	sld [smem:$0x3FB6];
	_ =	sdelay $0x3  }
0x33: {  	p0 =	seq.s32 s10, $0x1;
	s10 =	sld [smem:$0x3FB8];
	_ =	sdelay $0x3  }
0x34: {  	[smem:$0x3FB8] =	sst s10  }
0x35: {  	s10 =	sld [smem:$0x3FB7];
	_ =	sdelay $0x3  }
0x36: {  	p1 =	seq.s32 s10, $0x1;
	s10 =	sld [smem:$0x3FB8];
	_ =	sdelay $0x3  }
0x37: {  	[smem:$0x3FB8] =	sst s10  }
0x38: {  	s10 =	sld [smem:$0x3FB9]  }
0x39: {  	_ = 	snop;
	(pc) =	sbr.ind lr, $3  }
0x3a: {  	_ = 	snop  }
0x3b: {  	_ = 	snop  }
0x3c: {  	p2 =	seq.s32 s10, $0x1;
	s10 =	sld [smem:$0x3FB8]  }
0x3d: {  	_ =	shalt  }
0x3e: {  	_ =	shalt  }
0x3f: {  	_ =	shalt  }
0x40: {  	_ =	shalt  }
0x41: {  	_ =	shalt  }
0x42: {  	_ =	shalt  }
0x43: {  	_ =	shalt  }
0x44: {  	_ =	shalt  }
0x45: {  	_ =	shalt  }
0x46: {  	_ =	shalt  }
0x47: {  	_ =	shalt  }
0x48: {  	_ =	shalt  }
0x49: {  	_ =	shalt  }
0x4a: {  	_ =	shalt  }
0x4b: {  	_ =	shalt  }
0x4c: {  	_ =	shalt  }
0x4d: {  	_ =	shalt  }
0x4e: {  	_ =	shalt  }
0x4f: {  	_ =	shalt  }
0x50: {  	_ =	shalt  }
0x51: {  	_ =	shalt  }
0x52: {  	_ =	shalt  }
0x53: {  	_ =	shalt  }
0x54: {  	_ =	shalt  }
0x55: {  	_ =	shalt  }
0x56: {  	_ =	shalt  }
0x57: {  	_ =	shalt  }
0x58: {  	_ =	shalt  }
0x59: {  	_ =	shalt  }
0x5a: {  	_ =	shalt  }
0x5b: {  	_ =	shalt  }
0x5c: {  	_ =	shalt  }
0x5d: {  	_ =	shalt  }
0x5e: {  	_ =	shalt  }
0x5f: {  	_ =	shalt  }
0x60: {  	_ =	shalt  }
0x61: {  	_ =	shalt  }
0x62: {  	_ =	shalt  }
0x63: {  	_ =	shalt  }
0x64: {  	_ =	shalt  }
0x65: {  	_ =	shalt  }
0x66: {  	_ =	shalt  }
0x67: {  	_ =	shalt  }
0x68: {  	_ =	shalt  }
0x69: {  	_ =	shalt  }
0x6a: {  	_ =	shalt  }
0x6b: {  	_ =	shalt  }
0x6c: {  	_ =	shalt  }
0x6d: {  	_ =	shalt  }
0x6e: {  	_ =	shalt  }
0x6f: {  	_ =	shalt  }
0x70: {  	_ =	shalt  }
0x71: {  	_ =	shalt  }
0x72: {  	_ =	shalt  }
0x73: {  	_ =	shalt  }
0x74: {  	_ =	shalt  }
0x75: {  	_ =	shalt  }
0x76: {  	_ =	shalt  }
0x77: {  	_ =	shalt  }
0x78: {  	_ =	shalt  }
0x79: {  	_ =	shalt  }
0x7a: {  	_ =	shalt  }
0x7b: {  	_ =	shalt  }
0x7c: {  	_ =	shalt  }
0x7d: {  	_ =	shalt  }
0x7e: {  	_ =	shalt  }
0x7f: {  	_ =	shalt  }
0x80: {  	_ =	shalt  }
0x81: {  	_ =	shalt  }
0x82: {  	_ =	shalt  }
0x83: {  	_ =	shalt  }
0x84: {  	_ =	shalt  }
0x85: {  	_ =	shalt  }
0x86: {  	_ =	shalt  }
0x87: {  	_ =	shalt  }
.Lfunc_end0:
.L_simem_size_0:
called_computation_lowered:
.L_overlay_start_0:
0x88: {  	s2 =	sld [smem:$0x3FD9]  }
0x89: {  	s3 =	sld [smem:$0x3FFE];
	_ =	sdelay $0x1  }
0x8a: {  	s1 =	srdreg.scid  }
0x8b: {  	s0 =	sand.u32 $0x1, s1  }
0x8c: {  	s17 =	sshll.u32 s0, $0xA;
	s2 =	sadd.s32 s3, s2  }
0x8d: {  	s2 =	sadd.s32 s2, s17  }
0x8e: {  	[smem:$0x3FC4] =	sst s2  }
0x8f: {  	_ = 	snop  }
0x90: {  	s2 =	sld [smem:$0x3FC8]  }
0x91: {  	s18 =	sld [smem:$0x3FC7];
	(tm) =	ssettm $0x1  }
0x92: {  	s4 =	sld [smem:$0x3FFB];
	_ =	sdelay $0x3  }
0x93: {  	_ =	strace s4  }
0x94: {  	s4 =	sld [smem:$0x3FFC];
	_ =	sdelay $0x3  }
0x95: {  	_ =	strace s4  }
0x96: {  	s4 =	sld [smem:$0x3FFD];
	_ =	sdelay $0x3  }
0x97: {  	_ =	strace s4  }
0x98: {  	_ =	strace $0x8FFFFFFF  }
0x99: {  	s19 =	sld [smem:$0x3FDB];
	_ =	sdelay $0x1  }
0x9a: {  	s5 =	simm.s32 $_scs_section_size  }
0x9b: {  	s6 =	simm.s32 $_size__tile_overlayer_lowered;
	s7 =	simm.s32 $_tile_overlayer_lowered  }
0x9c: {  	s22 =	simm.s32 $0x1BFF;
	s21 =	sshll.u32 s7, $0x1;
	s4 =	sadd.s32 s5, s19  }
0x9d: {  	s8 =	simm.s32 $0x0;
	s20 =	sshll.u32 s6, $0x1;
	s6 =	sadd.s32 s21, s4  }
0x9e: {  	[timem:s8], [sflag:s22] =	dma.local [hbm:s6], s20  }
0x9f: {  	_ =	swait.ge [sflag:s22], s20  }
0xa0: {  	s5 =	ssub.s32 $0x0, s20;
	[sflag:s22] =	ssyncset.done $0x0  }
0xa1: {  	[sflag:s22] =	ssyncadd.s32 s5;
	_ =	sdelay $0x1  }
0xa2: {  	s23 =	simm.s32 $0x1B8B  }
0xa3: {  	_ =	swait.ge [sflag:s23], $0x1  }
0xa4: {  	[sflag:s23] =	ssyncset.done $0x0  }
0xa5: {  	s25 =	simm.s32 $0x1B8E;
	s24 =	sld [smem:$0x3FFE];
	[sflag:s23] =	ssyncadd.s32 $0xFFFFFFFF  }
0xa6: {  	s26 =	simm.s32 $execute0_lowered;
	[smem:$0x3FD2] =	sst s25  }
0xa7: {  	s6 =	sshll.u32 s26, $0x1;
	_ =	strace $0x80000046;
	[dreg:$0x1] =	wrdreg $0xFFFFFFFF  }
0xa8: {  	s28 =	simm.s32 $_size_execute0_lowered;
	s4 =	sadd.s32 s4, s6;
	[dreg:$0x0] =	wrdreg $0x0  }
0xa9: {  	s6 =	sshll.u32 s28, $0x1;
	[dreg:$0x2] =	wrdreg s4  }
0xaa: {  	[dreg:$0x3] =	wrdreg s6  }
0xab: {  	[dreg:$0x4] =	wrdreg $0xC0  }
0xac: {  	_ =	task [dreg:s8], $0x5FFFF  }
0xad: {  	[dreg:$0x1] =	wrdreg $0xFFFFFFFF  }
0xae: {  	[dreg:$0x0] =	wrdreg $0x60  }
0xaf: {  	[dreg:$0x2] =	wrdreg s2  }
0xb0: {  	[dreg:$0x3] =	wrdreg s18  }
0xb1: {  	[dreg:$0x4] =	wrdreg s24  }
0xb2: {  	[dreg:$0x5] =	wrdreg $0x9  }
0xb3: {  	_ =	task.clear_ibuf [dreg:s8], $0x6FFFF;
	_ =	strace $0x90000046  }
0xb4: {  	s29 =	simm.s32 $0x9;
	_ =	strace $0x80000048  }
0xb5: {  	_ =	swait.ge [sflag:s29], $0x1  }
0xb6: {  	[sflag:s29] =	ssyncadd.s32 $0xFFFFFFFF  }
0xb7: {  	_ =	strace $0x90000048  }
0xb8: {  	_ =	sfence  }
0xb9: {  	s30 =	sld [smem:$0x0];
	_ =	sdelay $0x2  }
0xba: {  	s31 =	sshll.u32 s1, $0xD;
	s1 =	sshrl.u32 s1, $0x2  }
0xbb: {  	s3 =	sand.u32 $0x4000, s31;
	s1 =	sadd.s32 s1, s30  }
0xbc: {  	s0 =	sor.u32 s3, s0;
	s1 =	sshll.u32 s1, $0x11  }
0xbd: {  	s0 =	sor.u32 s1, s0  }
0xbe: {  	s0 =	sadd.s32 $0x8F2B, s0  }
0xbf: {  	[sflag:s0] =	ssyncadd.remote.s32 $0x1  }
0xc0: {  	_ =	sfence.sel $0xFFFF  }
0xc1: {  	[dreg:$0x0] =	wrdreg $0xFFFFFFFF;
	(pc) =	sbr.abs _section_cstart, $3  }
0xc2: {  	[dreg:$0x1] =	wrdreg $0xFFFFFFFF  }
0xc3: {  	_ =	task.clear_ibuf [dreg:s8], $0x2FFFF;
	_ =	strace $0x9FFFFFFF  }
0xc4: {  	(tm) =	ssettm $0x7FFFFFFF  }
0xc5: {  	_ =	shalt  }
tec
execute0_lowered:
.L_overlay_start_1:
0x0: {  	(tag) =	ssettag $0x1  }
0x1: {  	s7 =	rddreg [dreg:$0x0]  }
0x2: {  	s6 =	rddreg [dreg:$0x1]  }
0x3: {  	s4 =	rddreg [dreg:$0x2]  }
0x4: {  	s0 =	rddreg [dreg:$0x3]  }
0x5: {  	s1 =	simm.s32 $0x0;
	s2 =	srdreg.scid;
	s28 =	simm.s32 $0x200  }
0x6: {  	s29 =	simm.s32 $0x280;
	s30 =	simm.s32 $0x2400;
	s31 =	simm.s32 $0x300  }
0x7: {  	s16 =	simm.s32 $0x40;
	s17 =	simm.s32 $0x3;
	s18 =	simm.s32 $0x4  }
0x8: {  	s19 =	simm.s32 $0x5;
	s20 =	simm.s32 $0x0;
	[smem:$0x7FF] =	sst s1  }
0x9: {  	s3 =	sadd.s32 $0x1000400, s4;
	s10 =	sadd.s32 $0x400, s4;
	s4 =	sadd.s32 $0x408, s4  }
0xa: {  	s8 =	sand.u32 $0x1, s2;
	_ =	strace $0x80000047;
	[dreg:$0x4] =	wrdreg s4  }
0xb: {  	s2 =	stileid.u32;
	s5 =	ssub.s32 $0x2, s8;
	[dreg:$0x9] =	wrdreg s28  }
0xc: {  	s22 =	sshll.u32 s2, $0x12;
	s11 =	sshll.u32 s8, $0x11;
	[dreg:$0xa] =	wrdreg s29  }
0xd: {  	s12 =	sshll.u32 s2, $0xF;
	s13 =	sshll.u32 s8, $0xE;
	[dreg:$0xb] =	wrdreg s30  }
0xe: {  	s24 =	sshll.u32 s2, $0x7;
	s8 =	sshll.u32 s8, $0x6;
	[dreg:$0xc] =	wrdreg s31  }
0xf: {  	s9 =	sshrl.u32 s5, $0x1;
	s14 =	sor.u32 s11, s22;
	s12 =	sor.u32 s13, s12  }
0x10: {  	s8 =	sor.u32 s8, s24;
	s26 =	sadd.s32 s22, s10;
	s5 =	ssub.s32 s5, s9  }
0x11: {  	s23 =	sadd.s32 s14, s10;
	s13 =	sor.u32 $0x100, s12;
	s12 =	sshrl.u32 s12, $0x3  }
0x12: {  	s9 =	simm.s32 $0x1;
	s10 =	simm.s32 $0x80;
	s14 =	simm.s32 $0x6400  }
0x13: {  	s4 =	sadd.s32 $0x1F008, s23;
	s13 =	sshrl.u32 s13, $0x3;
	s25 =	sadd.s32 s12, s6  }
0x14: {  	s5 =	smax.u32 s5, $0x1;
	s15 =	sadd.s32 s13, s6;
	[dreg:$0x7] =	wrdreg s25  }
0x15: {  	s13 =	sadd.s32 s13, s7;
	s6 =	sadd.s32 $0xFFFFFFFF, s8;
	[dreg:$0x5] =	wrdreg s15  }
0x16: {  	s7 =	sadd.s32 s12, s7;
	s8 =	simm.s32 $0x100;
	[dreg:$0x6] =	wrdreg s13  }
0x17: {  	s12 =	simm.s32 $0x4400;
	[dreg:$0x8] =	wrdreg s7;
	s7 =	sadd.s32 s11, s26  }
0x18: {  	s11 =	simm.s32 $0x400;
	s13 =	simm.s32 $0x380;
	s15 =	simm.s32 $0x2  }
.LBB2_1:
0x19: {  	s21 =	smov.u32 s7;
	s22 =	simm.s32 $0x0;
	s23 =	smov.u32 s6  }
.LBB2_2:
0x1a: {  	p0 =	seq.s32 s22, $0x0  }
0x1b: {  	s24 =	simm.s32 @!p0 $0x4  }
0x1c: {  	_ =	swait.ge @!p0 [sflag:s24], $0x4000  }
0x1d: {  	s25 =	rddreg [dreg:$0x8];
	[sflag:s24] =	ssyncset.done @!p0 $0x0  }
0x1e: {  	s26 =	rddreg [dreg:$0x7];
	[sflag:s24] =	ssyncadd.s32 @!p0 $0xFFFFC000;
	s25 =	sadd.s32 s22, s25  }
0x1f: {  	[tilespmem:s1], [sflag:$0x1] =	stream.linear.gather [hbm4b:s25+s1], $0x100, $0x38;
	[tilespmem:$0x8400] =	vst v63  }
0x20: {  	s28 =	sadd.s32 s22, s26  }
0x21: {  	[tilespmem:s8], [sflag:$0x1] =	stream.linear.gather [hbm4b:s28+s1], $0x100, $0x38;
	[tilespmem:$0x8400] =	vst v63  }
0x22: {  	_ =	swait.ge [sflag:s9], $0x100  }
0x23: {  	[sflag:s9] =	ssyncset.done $0x0  }
0x24: {  	[sflag:s9] =	ssyncadd.s32 $0xFFFFFF00  }
0x25: {  	_ =	swait.ge [sflag:s9], $0x100  }
0x26: {  	[sflag:s9] =	ssyncset.done $0x0  }
0x27: {  	[sflag:s9] =	ssyncadd.s32 $0xFFFFFF00  }
0x28: {  	v0 =	vld [tilespmem:$0x0]  }
0x29: {  	v1 =	vld [tilespmem:$0x100]  }
0x2a: {  	v2 =	vld [tilespmem:$0x10]  }
0x2b: {  	v3 =	vld [tilespmem:$0x110]  }
0x2c: {  	v4 =	vld [tilespmem:$0x20]  }
0x2d: {  	v5 =	vld [tilespmem:$0x120]  }
0x2e: {  	v6 =	vld [tilespmem:$0x30]  }
0x2f: {  	v7 =	vld [tilespmem:$0x130]  }
0x30: {  	v8 =	vld [tilespmem:$0x140]  }
0x31: {  	v9 =	vld [tilespmem:$0x50]  }
0x32: {  	v11 =	vld [tilespmem:$0x150]  }
0x33: {  	v57 =	vld [tilespmem:$0x160]  }
0x34: {  	v62 =	vld [tilespmem:$0x170]  }
0x35: {  	v12 =	vld [tilespmem:$0x80]  }
0x36: {  	v13 =	vld [tilespmem:$0x180]  }
0x37: {  	v23 =	vld [tilespmem:$0x190];
	v0 =	vmul.f32 $1.024000000e+03, v0;
	v1 =	vmul.f32 $1.024000000e+03, v1  }
0x38: {  	v14 =	vld [tilespmem:$0x1A0];
	v2 =	vmul.f32 $1.024000000e+03, v2;
	v3 =	vmul.f32 $1.024000000e+03, v3  }
0x39: {  	v15 =	vld [tilespmem:$0xB0];
	v4 =	vmul.f32 $1.024000000e+03, v4;
	v5 =	vmul.f32 $1.024000000e+03, v5  }
0x3a: {  	v16 =	vld [tilespmem:$0x1B0];
	v6 =	vmul.f32 $1.024000000e+03, v6;
	v7 =	vmul.f32 $1.024000000e+03, v7  }
0x3b: {  	v32 =	vld [tilespmem:$0x1C0];
	v51 =	vmul.f32 $1.024000000e+03, v8;
	v56 =	vmul.f32 $1.024000000e+03, v9  }
0x3c: {  	v17 =	vld [tilespmem:$0x1D0];
	v58 =	vmul.f32 $1.024000000e+03, v11;
	v9 =	vmul.f32 $1.024000000e+03, v57  }
0x3d: {  	v19 =	vmul.f32 $1.024000000e+03, v62;
	v22 =	vmul.f32 $1.024000000e+03, v12  }
0x3e: {  	v13 =	vmul.f32 $1.024000000e+03, v13;
	v12 =	vmul.f32 $1.024000000e+03, v23  }
0x3f: {  	v28 =	vmul.f32 $1.024000000e+03, v14;
	v31 =	vmul.f32 $1.024000000e+03, v15  }
0x40: {  	v48 =	vld [tilespmem:$0x40];
	v16 =	vmul.f32 $1.024000000e+03, v16;
	v15 =	vmul.f32 $1.024000000e+03, v32  }
0x41: {  	v39 =	vmul.f32 $1.024000000e+03, v17;
	v0 =	vtrunc.f32 v0  }
0x42: {  	v1 =	vtrunc.f32 v1;
	v2 =	vtrunc.f32 v2  }
0x43: {  	v3 =	vtrunc.f32 v3;
	v46 =	vtrunc.f32 v4  }
0x44: {  	v26 =	vld [tilespmem:$0xA0];
	v47 =	vtrunc.f32 v5;
	v6 =	vtrunc.f32 v6  }
0x45: {  	v35 =	vld [tilespmem:$0xD0];
	v7 =	vtrunc.f32 v7;
	v5 =	vmul.f32 $1.024000000e+03, v48  }
0x46: {  	v41 =	vld [tilespmem:$0xF0];
	v59 =	vtrunc.f32 v56;
	v60 =	vtrunc.f32 v58  }
0x47: {  	v9 =	vtrunc.f32 v9;
	v24 =	vtrunc.f32 v22  }
0x48: {  	v25 =	vtrunc.f32 v13;
	v12 =	vtrunc.f32 v12  }
0x49: {  	v13 =	vmul.f32 $1.024000000e+03, v26;
	v33 =	vtrunc.f32 v31  }
0x4a: {  	v34 =	vtrunc.f32 v16;
	v15 =	vtrunc.f32 v15  }
0x4b: {  	v16 =	vmul.f32 $1.024000000e+03, v35;
	v48 =	vmul.f32 $1.024000000e+03, v41  }
0x4c: {  	v0 =	vcvt.f32.s32 v0;
	v1 =	vcvt.f32.s32 v1  }
0x4d: {  	v38 =	vld [tilespmem:$0x1E0];
	v2 =	vcvt.f32.s32 v2;
	v3 =	vcvt.f32.s32 v3  }
0x4e: {  	v4 =	vcvt.f32.s32 v47;
	v6 =	vcvt.f32.s32 v6  }
0x4f: {  	v30 =	vld [tilespmem:$0xC0];
	v7 =	vcvt.f32.s32 v7;
	v8 =	vcvt.f32.s32 v60  }
0x50: {  	v9 =	vcvt.f32.s32 v9;
	v11 =	vcvt.f32.s32 v25  }
0x51: {  	v12 =	vcvt.f32.s32 v12;
	v14 =	vcvt.f32.s32 v34  }
0x52: {  	v15 =	vcvt.f32.s32 v15;
	v47 =	vmul.f32 $1.024000000e+03, v38  }
0x53: {  	v52 =	vtrunc.f32 v5;
	v29 =	vtrunc.f32 v13  }
0x54: {  	v13 =	vmul.f32 $1.024000000e+03, v30;
	v40 =	vtrunc.f32 v16  }
0x55: {  	vm0 =	vlt.s32 v0, $0x3FF;
	vm1 =	vlt.s32 v1, $0x3FF;
	vm14 =	vlt.s32 v2, $0x3FF  }
0x56: {  	v55 =	vld [tilespmem:$0x60];
	vm15 =	vlt.s32 v3, $0x3FF;
	vm5 =	vlt.s32 v4, $0x3FF;
	vm6 =	vlt.s32 v6, $0x3FF  }
0x57: {  	vm7 =	vlt.s32 v7, $0x3FF;
	vm11 =	vlt.s32 v8, $0x3FF;
	vm13 =	vlt.s32 v9, $0x3FF  }
0x58: {  	v0 =	vnsel vm0, $0x3FF, v0;
	v1 =	vnsel vm1, $0x3FF, v1;
	v45 =	vnsel vm14, $0x3FF, v2  }
0x59: {  	v2 =	vcvt.f32.s32 v46;
	v3 =	vnsel vm15, $0x3FF, v3;
	v4 =	vnsel vm5, $0x3FF, v4  }
0x5a: {  	v53 =	vnsel vm6, $0x3FF, v6;
	v54 =	vnsel vm7, $0x3FF, v7;
	v6 =	vcvt.f32.s32 v59  }
0x5b: {  	v7 =	vmul.f32 $1.024000000e+03, v55;
	v8 =	vnsel vm11, $0x3FF, v8;
	v9 =	vnsel vm13, $0x3FF, v9  }
0x5c: {  	vm5 =	vlt.s32 v11, $0x3FF;
	vm7 =	vlt.s32 v12, $0x3FF;
	vm11 =	vlt.s32 v14, $0x3FF  }
0x5d: {  	v18 =	vld [tilespmem:$0xE0];
	v13 =	vtrunc.f32 v13;
	vm13 =	vlt.s32 v15, $0x3FF;
	v0 =	vshll.u32 v0, $0xA  }
0x5e: {  	v5 =	vshll.u32 v53, $0xA;
	v11 =	vnsel vm5, $0x3FF, v11;
	v12 =	vnsel vm7, $0x3FF, v12  }
0x5f: {  	v14 =	vnsel vm11, $0x3FF, v14;
	v13 =	vcvt.f32.s32 v13;
	v43 =	vnsel vm13, $0x3FF, v15  }
0x60: {  	v44 =	vld [tilespmem:$0x1F0];
	v0 =	vadd.s32 v1, v0;
	v1 =	vshll.u32 v45, $0xA;
	vm4 =	vlt.s32 v2, $0x3FF  }
0x61: {  	v61 =	vld [tilespmem:$0x70];
	v5 =	vadd.s32 v54, v5;
	vm10 =	vlt.s32 v6, $0x3FF;
	v7 =	vtrunc.f32 v7  }
0x62: {  	v45 =	vmul.f32 $1.024000000e+03, v18;
	v2 =	vnsel vm4, $0x3FF, v2;
	v49 =	vadd.s32 v3, v1  }
0x63: {  	v3 =	vtrunc.f32 v51;
	v6 =	vnsel vm10, $0x3FF, v6;
	v7 =	vcvt.f32.s32 v7  }
0x64: {  	[tilespmem:$0x230] =	vst v5;
	v10 =	vshll.u32 v2, $0xA;
	v3 =	vcvt.f32.s32 v3;
	v2 =	vtrunc.f32 v39  }
0x65: {  	v6 =	vshll.u32 v6, $0xA;
	[tilespmem:$0x210] =	vst v49;
	v5 =	vtrunc.f32 v45;
	v49 =	vmul.f32 $1.024000000e+03, v44  }
0x66: {  	v21 =	vld [tilespmem:$0x90];
	v50 =	vadd.s32 v4, v10;
	v4 =	vcvt.f32.s32 v52;
	v10 =	vmul.f32 $1.024000000e+03, v61  }
0x67: {  	v63 =	vadd.s32 v8, v6;
	vm12 =	vlt.s32 v7, $0x3FF;
	v6 =	vtrunc.f32 v19  }
0x68: {  	v2 =	vcvt.f32.s32 v2;
	v5 =	vcvt.f32.s32 v5;
	vm9 =	vlt.s32 v3, $0x3FF  }
0x69: {  	v7 =	vnsel vm12, $0x3FF, v7;
	v6 =	vcvt.f32.s32 v6;
	vm12 =	vlt.s32 v13, $0x3FF  }
0x6a: {  	vm8 =	vlt.s32 v4, $0x3FF;
	v3 =	vnsel vm9, $0x3FF, v3;
	v20 =	vtrunc.f32 v10  }
0x6b: {  	v7 =	vshll.u32 v7, $0xA;
	v10 =	vmul.f32 $1.024000000e+03, v21;
	v42 =	vnsel vm12, $0x3FF, v13  }
0x6c: {  	v4 =	vnsel vm8, $0x3FF, v4;
	v8 =	vcvt.f32.s32 v20;
	v7 =	vadd.s32 v9, v7  }
0x6d: {  	vm15 =	vlt.s32 v6, $0x3FF;
	v9 =	vcvt.f32.s32 v24;
	v1 =	vshll.u32 v42, $0xA  }
0x6e: {  	v4 =	vshll.u32 v4, $0xA;
	v6 =	vnsel vm15, $0x3FF, v6;
	v10 =	vtrunc.f32 v10  }
0x6f: {  	v1 =	vadd.s32 v43, v1;
	[tilespmem:$0x260] =	vst v7;
	vm15 =	vlt.s32 v2, $0x3FF;
	v7 =	vtrunc.f32 v48  }
0x70: {  	v3 =	vadd.s32 v3, v4;
	vm14 =	vlt.s32 v8, $0x3FF;
	v10 =	vcvt.f32.s32 v10  }
0x71: {  	vm4 =	vlt.s32 v9, $0x3FF;
	v2 =	vnsel vm15, $0x3FF, v2;
	v4 =	vtrunc.f32 v47  }
0x72: {  	[tilespmem:$0x220] =	vst v50;
	v50 =	vcvt.f32.s32 v7;
	v8 =	vnsel vm14, $0x3FF, v8;
	vm6 =	vlt.s32 v10, $0x3FF  }
0x73: {  	v9 =	vnsel vm4, $0x3FF, v9;
	v4 =	vcvt.f32.s32 v4;
	v10 =	vnsel vm6, $0x3FF, v10  }
0x74: {  	vm4 =	vlt.s32 v5, $0x3FF;
	v8 =	vshll.u32 v8, $0xA;
	v10 =	vshll.u32 v10, $0xA  }
0x75: {  	v9 =	vshll.u32 v9, $0xA;
	v10 =	vadd.s32 v12, v10;
	v12 =	vcvt.f32.s32 v33  }
0x76: {  	v5 =	vnsel vm4, $0x3FF, v5;
	v6 =	vadd.s32 v6, v8;
	v27 =	vadd.s32 v11, v9  }
0x77: {  	[tilespmem:$0x200] =	vst v0;
	v11 =	vcvt.f32.s32 v29;
	v9 =	vtrunc.f32 v28;
	vm10 =	vlt.s32 v12, $0x3FF  }
0x78: {  	[tilespmem:$0x250] =	vst v63;
	vm5 =	vlt.s32 v4, $0x3FF;
	v52 =	vshll.u32 v5, $0xA;
	v12 =	vnsel vm10, $0x3FF, v12  }
0x79: {  	v9 =	vcvt.f32.s32 v9;
	[tilespmem:$0x270] =	vst v6;
	v6 =	vtrunc.f32 v49;
	v12 =	vshll.u32 v12, $0xA  }
0x7a: {  	[tilespmem:$0x2C0] =	vst v1;
	v4 =	vnsel vm5, $0x3FF, v4;
	v37 =	vadd.s32 v14, v12;
	v12 =	vcvt.f32.s32 v40  }
0x7b: {  	[tilespmem:$0x240] =	vst v3;
	vm8 =	vlt.s32 v11, $0x3FF;
	v51 =	vcvt.f32.s32 v6;
	v1 =	vadd.s32 v4, v52  }
0x7c: {  	[tilespmem:$0x280] =	vst v27;
	v11 =	vnsel vm8, $0x3FF, v11;
	vm9 =	vlt.s32 v9, $0x3FF;
	vm14 =	vlt.s32 v12, $0x3FF  }
0x7d: {  	[tilespmem:$0x290] =	vst v10;
	v9 =	vnsel vm9, $0x3FF, v9;
	v11 =	vshll.u32 v11, $0xA;
	v46 =	vnsel vm14, $0x3FF, v12  }
0x7e: {  	vm6 =	vlt.s32 v50, $0x3FF;
	[tilespmem:$0x2E0] =	vst v1;
	v36 =	vadd.s32 v9, v11;
	v3 =	vshll.u32 v46, $0xA  }
0x7f: {  	vm7 =	vlt.s32 v51, $0x3FF;
	[tilespmem:$0x2A0] =	vst v36;
	v2 =	vadd.s32 v2, v3;
	v3 =	vnsel vm6, $0x3FF, v50  }
0x80: {  	v0 =	vnsel vm7, $0x3FF, v51;
	[tilespmem:$0x2B0] =	vst v37;
	v53 =	vshll.u32 v3, $0xA  }
0x81: {  	s29 =	rddreg [dreg:$0x9];
	[tilespmem:$0x2D0] =	vst v2;
	v0 =	vadd.s32 v0, v53  }
0x82: {  	s30 =	rddreg [dreg:$0xa];
	[tilespmem:$0x2F0] =	vst v0  }
0x83: {  	[tilespmem:s11], [sflag:$0x2] =	stream.indirect.gather [hbm4b:s3+s10], $0x40, s29, s10, $0xb8;
	[tilespmem:$0x8400] =	vst v63  }
0x84: {  	s24 =	simm.s32 @!p0 $0x3;
	s31 =	rddreg [dreg:$0xb]  }
0x85: {  	[tilespmem:s31], [sflag:$0x2] =	stream.indirect.gather [hbm4b:s3+s10], $0x40, s30, s10, $0xb8;
	[tilespmem:$0x8400] =	vst v63  }
0x86: {  	s25 =	sshrl.u32 @!p0 s23, $0x1F;
	_ =	swait.ge @!p0 [sflag:s24], $0x2000  }
0x87: {  	s25 =	sadd.s32 @!p0 s25, s23;
	[sflag:s24] =	ssyncset.done @!p0 $0x0  }
0x88: {  	s26 =	sshra.s32 @!p0 s23, $0x1F;
	s25 =	sshrl.u32 @!p0 s25, $0x1;
	[sflag:s24] =	ssyncadd.s32 @!p0 $0xFFFFE000  }
0x89: {  	s25 =	sadd.s32 @!p0 s26, s25;
	_ =	swait.ge @!p0 [sflag:s24], $0x2000  }
0x8a: {  	s28 =	simm.s32 @!p0 $0x4400;
	s25 =	sshll.u32 @!p0 s25, $0xC;
	[sflag:s24] =	ssyncset.done @!p0 $0x0  }
0x8b: {  	s25 =	sand.u32 @!p0 $0x1FFFF000, s25;
	s26 =	rddreg [dreg:$0x4];
	[sflag:s24] =	ssyncadd.s32 @!p0 $0xFFFFE000  }
0x8c: {  	s24 =	sadd.s32 @!p0 s25, s26;
	s25 =	simm.s32 @!p0 $0x40;
	s26 =	simm.s32 @!p0 $0x80  }
0x8d: {  	[hbm4b:s24+s25] =	stream.strided.scatter @!p0 [tilespmem:s28], [sflag:$0x5], $0x4000, s26, s25, $0x38;
	[tilespmem:$0x8400] =	vst v63  }
0x8e: {  	s24 =	simm.s32 @!p0 $0x5  }
0x8f: {  	_ =	swait.ge @!p0 [sflag:s24], $0x4000  }
0x90: {  	s26 =	rddreg [dreg:$0x6];
	[sflag:s24] =	ssyncset.done @!p0 $0x0  }
0x91: {  	s28 =	rddreg [dreg:$0x5];
	[sflag:s24] =	ssyncadd.s32 @!p0 $0xFFFFC000;
	s29 =	sadd.s32 s22, s26  }
0x92: {  	[tilespmem:s1], [sflag:$0x1] =	stream.linear.gather [hbm4b:s29+s1], $0x100, $0x38;
	[tilespmem:$0x8400] =	vst v63  }
0x93: {  	s30 =	sadd.s32 s22, s28  }
0x94: {  	[tilespmem:s8], [sflag:$0x1] =	stream.linear.gather [hbm4b:s30+s1], $0x100, $0x38;
	[tilespmem:$0x8400] =	vst v63  }
0x95: {  	_ =	swait.ge [sflag:s9], $0x100  }
0x96: {  	[sflag:s9] =	ssyncset.done $0x0  }
0x97: {  	[sflag:s9] =	ssyncadd.s32 $0xFFFFFF00  }
0x98: {  	_ =	swait.ge [sflag:s9], $0x100  }
0x99: {  	[sflag:s9] =	ssyncset.done $0x0  }
0x9a: {  	[sflag:s9] =	ssyncadd.s32 $0xFFFFFF00  }
0x9b: {  	v54 =	vld [tilespmem:$0x0]  }
0x9c: {  	v55 =	vld [tilespmem:$0x100]  }
0x9d: {  	v56 =	vld [tilespmem:$0x10]  }
0x9e: {  	v57 =	vld [tilespmem:$0x110]  }
0x9f: {  	v58 =	vld [tilespmem:$0x20]  }
0xa0: {  	v59 =	vld [tilespmem:$0x120]  }
0xa1: {  	v60 =	vld [tilespmem:$0x30]  }
0xa2: {  	v61 =	vld [tilespmem:$0x130]  }
0xa3: {  	v62 =	vld [tilespmem:$0x40]  }
0xa4: {  	v14 =	vld [tilespmem:$0x50]  }
0xa5: {  	v18 =	vld [tilespmem:$0x60]  }
0xa6: {  	v21 =	vld [tilespmem:$0x70]  }
0xa7: {  	v28 =	vld [tilespmem:$0xA0]  }
0xa8: {  	v36 =	vld [tilespmem:$0x1D0]  }
0xa9: {  	v37 =	vld [tilespmem:$0xE0];
	v0 =	vmul.f32 $1.024000000e+03, v54;
	v1 =	vmul.f32 $1.024000000e+03, v55  }
0xaa: {  	v40 =	vld [tilespmem:$0x1E0];
	v2 =	vmul.f32 $1.024000000e+03, v56;
	v3 =	vmul.f32 $1.024000000e+03, v57  }
0xab: {  	v43 =	vld [tilespmem:$0xF0];
	v4 =	vmul.f32 $1.024000000e+03, v58;
	v5 =	vmul.f32 $1.024000000e+03, v59  }
0xac: {  	v47 =	vld [tilespmem:$0x1F0];
	v6 =	vmul.f32 $1.024000000e+03, v60;
	v7 =	vmul.f32 $1.024000000e+03, v61  }
0xad: {  	v8 =	vmul.f32 $1.024000000e+03, v62;
	v9 =	vmul.f32 $1.024000000e+03, v14  }
0xae: {  	v10 =	vmul.f32 $1.024000000e+03, v18;
	v11 =	vmul.f32 $1.024000000e+03, v21  }
0xaf: {  	v14 =	vmul.f32 $1.024000000e+03, v28;
	v41 =	vmul.f32 $1.024000000e+03, v36  }
0xb0: {  	v49 =	vmul.f32 $1.024000000e+03, v37;
	v51 =	vmul.f32 $1.024000000e+03, v40  }
0xb1: {  	v54 =	vmul.f32 $1.024000000e+03, v43;
	v55 =	vmul.f32 $1.024000000e+03, v47  }
0xb2: {  	v0 =	vtrunc.f32 v0;
	v1 =	vtrunc.f32 v1  }
0xb3: {  	v2 =	vtrunc.f32 v2;
	v3 =	vtrunc.f32 v3  }
0xb4: {  	v4 =	vtrunc.f32 v4;
	v5 =	vtrunc.f32 v5  }
0xb5: {  	v6 =	vtrunc.f32 v6;
	v7 =	vtrunc.f32 v7  }
0xb6: {  	v8 =	vtrunc.f32 v8;
	v9 =	vtrunc.f32 v9  }
0xb7: {  	v10 =	vtrunc.f32 v10;
	v11 =	vtrunc.f32 v11  }
0xb8: {  	v13 =	vld [tilespmem:$0x140];
	v14 =	vtrunc.f32 v14;
	v52 =	vtrunc.f32 v49  }
0xb9: {  	v17 =	vld [tilespmem:$0x150];
	v56 =	vtrunc.f32 v54;
	v0 =	vcvt.f32.s32 v0  }
0xba: {  	v1 =	vcvt.f32.s32 v1;
	v2 =	vcvt.f32.s32 v2  }
0xbb: {  	v26 =	vld [tilespmem:$0x90];
	v3 =	vcvt.f32.s32 v3;
	v4 =	vcvt.f32.s32 v4  }
0xbc: {  	v34 =	vld [tilespmem:$0xD0];
	v12 =	vcvt.f32.s32 v5;
	v6 =	vcvt.f32.s32 v6  }
0xbd: {  	v16 =	vcvt.f32.s32 v7;
	v5 =	vmul.f32 $1.024000000e+03, v13  }
0xbe: {  	v8 =	vcvt.f32.s32 v8;
	v7 =	vmul.f32 $1.024000000e+03, v17  }
0xbf: {  	v9 =	vcvt.f32.s32 v9;
	v10 =	vcvt.f32.s32 v10  }
0xc0: {  	v11 =	vcvt.f32.s32 v11;
	v13 =	vmul.f32 $1.024000000e+03, v26  }
0xc1: {  	v14 =	vcvt.f32.s32 v14;
	v17 =	vmul.f32 $1.024000000e+03, v34  }
0xc2: {  	v53 =	vcvt.f32.s32 v52;
	vm8 =	vlt.s32 v0, $0x3FF;
	vm9 =	vlt.s32 v1, $0x3FF  }
0xc3: {  	vm10 =	vlt.s32 v2, $0x3FF;
	vm11 =	vlt.s32 v3, $0x3FF;
	vm12 =	vlt.s32 v4, $0x3FF  }
0xc4: {  	vm13 =	vlt.s32 v12, $0x3FF;
	vm14 =	vlt.s32 v6, $0x3FF;
	vm15 =	vlt.s32 v16, $0x3FF  }
0xc5: {  	v20 =	vld [tilespmem:$0x160];
	v5 =	vtrunc.f32 v5;
	vm4 =	vlt.s32 v8, $0x3FF;
	v7 =	vtrunc.f32 v7  }
0xc6: {  	v23 =	vld [tilespmem:$0x170];
	vm6 =	vlt.s32 v9, $0x3FF;
	v13 =	vtrunc.f32 v13;
	v42 =	vtrunc.f32 v17  }
0xc7: {  	v24 =	vld [tilespmem:$0x80];
	v0 =	vnsel vm8, $0x3FF, v0;
	v1 =	vnsel vm9, $0x3FF, v1;
	v2 =	vnsel vm10, $0x3FF, v2  }
0xc8: {  	v32 =	vld [tilespmem:$0xC0];
	v63 =	vnsel vm11, $0x3FF, v3;
	v4 =	vnsel vm12, $0x3FF, v4;
	v15 =	vnsel vm13, $0x3FF, v12  }
0xc9: {  	v6 =	vnsel vm14, $0x3FF, v6;
	v3 =	vnsel vm15, $0x3FF, v16;
	v19 =	vcvt.f32.s32 v5  }
0xca: {  	v8 =	vnsel vm4, $0x3FF, v8;
	v22 =	vcvt.f32.s32 v7;
	v5 =	vmul.f32 $1.024000000e+03, v20  }
0xcb: {  	v9 =	vnsel vm6, $0x3FF, v9;
	vm8 =	vlt.s32 v10, $0x3FF;
	v7 =	vmul.f32 $1.024000000e+03, v23  }
0xcc: {  	v12 =	vmul.f32 $1.024000000e+03, v24;
	vm10 =	vlt.s32 v11, $0x3FF;
	v13 =	vcvt.f32.s32 v13  }
0xcd: {  	vm4 =	vlt.s32 v14, $0x3FF;
	v16 =	vmul.f32 $1.024000000e+03, v32;
	v46 =	vcvt.f32.s32 v42  }
0xce: {  	v0 =	vshll.u32 v0, $0xA;
	v2 =	vshll.u32 v2, $0xA;
	v4 =	vshll.u32 v4, $0xA  }
0xcf: {  	v6 =	vshll.u32 v6, $0xA;
	v8 =	vshll.u32 v8, $0xA;
	v9 =	vshll.u32 v9, $0xA  }
0xd0: {  	v30 =	vld [tilespmem:$0xB0];
	v10 =	vnsel vm8, $0x3FF, v10;
	v11 =	vnsel vm10, $0x3FF, v11;
	v14 =	vnsel vm4, $0x3FF, v14  }
0xd1: {  	v0 =	vadd.s32 v1, v0;
	v1 =	vadd.s32 v63, v2;
	v2 =	vadd.s32 v15, v4  }
0xd2: {  	vm5 =	vlt.s32 v19, $0x3FF;
	v3 =	vadd.s32 v3, v6;
	v5 =	vtrunc.f32 v5  }
0xd3: {  	vm7 =	vlt.s32 v22, $0x3FF;
	v7 =	vtrunc.f32 v7;
	v12 =	vtrunc.f32 v12  }
0xd4: {  	v25 =	vld [tilespmem:$0x180];
	v10 =	vshll.u32 v10, $0xA;
	v11 =	vshll.u32 v11, $0xA;
	vm14 =	vlt.s32 v13, $0x3FF  }
0xd5: {  	v27 =	vld [tilespmem:$0x190];
	v15 =	vmul.f32 $1.024000000e+03, v30;
	v35 =	vtrunc.f32 v16;
	v14 =	vshll.u32 v14, $0xA  }
0xd6: {  	vm10 =	vlt.s32 v46, $0x3FF;
	v4 =	vnsel vm5, $0x3FF, v19;
	v5 =	vcvt.f32.s32 v5  }
0xd7: {  	v6 =	vnsel vm7, $0x3FF, v22;
	v7 =	vcvt.f32.s32 v7;
	v12 =	vcvt.f32.s32 v12  }
0xd8: {  	v13 =	vnsel vm14, $0x3FF, v13;
	[tilespmem:$0x310] =	vst v1;
	v1 =	vtrunc.f32 v41;
	v50 =	vnsel vm10, $0x3FF, v46  }
0xd9: {  	v4 =	vadd.s32 v4, v8;
	v6 =	vadd.s32 v6, v9;
	v8 =	vmul.f32 $1.024000000e+03, v25  }
0xda: {  	v9 =	vmul.f32 $1.024000000e+03, v27;
	v15 =	vtrunc.f32 v15;
	v13 =	vshll.u32 v13, $0xA  }
0xdb: {  	v1 =	vcvt.f32.s32 v1;
	vm9 =	vlt.s32 v5, $0x3FF;
	vm11 =	vlt.s32 v7, $0x3FF  }
0xdc: {  	v29 =	vld [tilespmem:$0x1A0];
	vm12 =	vlt.s32 v12, $0x3FF;
	v15 =	vcvt.f32.s32 v15;
	[tilespmem:$0x350] =	vst v6;
	v6 =	vtrunc.f32 v51  }
0xdd: {  	v31 =	vld [tilespmem:$0x1B0];
	[tilespmem:$0x340] =	vst v4;
	v4 =	vshll.u32 v50, $0xA;
	v5 =	vnsel vm9, $0x3FF, v5;
	v8 =	vtrunc.f32 v8  }
0xde: {  	v7 =	vnsel vm11, $0x3FF, v7;
	v12 =	vnsel vm12, $0x3FF, v12;
	v9 =	vtrunc.f32 v9  }
0xdf: {  	vm11 =	vlt.s32 v1, $0x3FF;
	v6 =	vcvt.f32.s32 v6;
	vm12 =	vlt.s32 v53, $0x3FF  }
0xe0: {  	v5 =	vadd.s32 v5, v10;
	v8 =	vcvt.f32.s32 v8;
	v7 =	vadd.s32 v7, v11  }
0xe1: {  	v9 =	vcvt.f32.s32 v9;
	v10 =	vmul.f32 $1.024000000e+03, v29;
	v12 =	vshll.u32 v12, $0xA  }
0xe2: {  	v11 =	vmul.f32 $1.024000000e+03, v31;
	vm6 =	vlt.s32 v15, $0x3FF;
	v1 =	vnsel vm11, $0x3FF, v1  }
0xe3: {  	v57 =	vnsel vm12, $0x3FF, v53;
	v15 =	vnsel vm6, $0x3FF, v15;
	[tilespmem:$0x370] =	vst v7;
	v7 =	vtrunc.f32 v55  }
0xe4: {  	v33 =	vld [tilespmem:$0x1C0];
	[tilespmem:$0x300] =	vst v0;
	v1 =	vadd.s32 v1, v4;
	v0 =	vshll.u32 v57, $0xA;
	vm13 =	vlt.s32 v8, $0x3FF  }
0xe5: {  	vm15 =	vlt.s32 v9, $0x3FF;
	v10 =	vtrunc.f32 v10;
	v11 =	vtrunc.f32 v11  }
0xe6: {  	v39 =	vshll.u32 v15, $0xA;
	v58 =	vcvt.f32.s32 v7;
	v8 =	vnsel vm13, $0x3FF, v8  }
0xe7: {  	v9 =	vnsel vm15, $0x3FF, v9;
	v10 =	vcvt.f32.s32 v10;
	v11 =	vcvt.f32.s32 v11  }
0xe8: {  	[tilespmem:$0x320] =	vst v2;
	vm13 =	vlt.s32 v6, $0x3FF;
	v8 =	vadd.s32 v8, v12;
	v9 =	vadd.s32 v9, v13  }
0xe9: {  	[tilespmem:$0x330] =	vst v3;
	v12 =	vmul.f32 $1.024000000e+03, v33;
	v13 =	vcvt.f32.s32 v35;
	v59 =	vnsel vm13, $0x3FF, v6  }
0xea: {  	[tilespmem:$0x360] =	vst v5;
	vm15 =	vlt.s32 v58, $0x3FF;
	vm5 =	vlt.s32 v10, $0x3FF;
	vm7 =	vlt.s32 v11, $0x3FF  }
0xeb: {  	[tilespmem:$0x380] =	vst v8;
	v8 =	vcvt.f32.s32 v56;
	v0 =	vadd.s32 v59, v0;
	v61 =	vnsel vm15, $0x3FF, v58  }
0xec: {  	[tilespmem:$0x3D0] =	vst v1;
	v10 =	vnsel vm5, $0x3FF, v10;
	v11 =	vnsel vm7, $0x3FF, v11;
	v12 =	vtrunc.f32 v12  }
0xed: {  	[tilespmem:$0x390] =	vst v9;
	vm8 =	vlt.s32 v13, $0x3FF;
	v12 =	vcvt.f32.s32 v12;
	vm14 =	vlt.s32 v8, $0x3FF  }
0xee: {  	[tilespmem:$0x3E0] =	vst v0;
	v38 =	vadd.s32 v10, v14;
	v13 =	vnsel vm8, $0x3FF, v13;
	v60 =	vnsel vm14, $0x3FF, v8  }
0xef: {  	v44 =	vadd.s32 v11, v39;
	[tilespmem:$0x3A0] =	vst v38;
	vm9 =	vlt.s32 v12, $0x3FF;
	v62 =	vshll.u32 v60, $0xA  }
0xf0: {  	v48 =	vshll.u32 v13, $0xA;
	[tilespmem:$0x3B0] =	vst v44;
	v45 =	vnsel vm9, $0x3FF, v12;
	v63 =	vadd.s32 v61, v62  }
0xf1: {  	v3 =	vadd.s32 v45, v48;
	[tilespmem:$0x3F0] =	vst v63  }
0xf2: {  	s31 =	rddreg [dreg:$0xc];
	[tilespmem:$0x3C0] =	vst v3  }
0xf3: {  	[tilespmem:s12], [sflag:$0x3] =	stream.indirect.gather [hbm4b:s3+s10], $0x40, s31, s10, $0xb8;
	[tilespmem:$0x8400] =	vst v63  }
0xf4: {  	_ = 	snop  }
0xf5: {  	[tilespmem:s14], [sflag:$0x3] =	stream.indirect.gather [hbm4b:s3+s10], $0x40, s13, s10, $0xb8;
	[tilespmem:$0x8400] =	vst v63  }
0xf6: {  	_ =	swait.ge [sflag:s15], $0x2000  }
0xf7: {  	s22 =	sadd.s32 $0x40, s22;
	[sflag:s15] =	ssyncset.done $0x0  }
0xf8: {  	p0 =	sne.s32 s22, $0x800;
	[sflag:s15] =	ssyncadd.s32 $0xFFFFE000  }
.Ltmp0:
0xf9: {  	_ =	swait.ge [sflag:s15], $0x2000;
	(pc) =	sbr.rel @p0 .LBB2_2-.Ltmp0, $4  }
0xfa: {  	[sflag:s15] =	ssyncset.done $0x0  }
0xfb: {  	[sflag:s15] =	ssyncadd.s32 $0xFFFFE000  }
0xfc: {  	[hbm4b:s21+s16] =	stream.strided.scatter [tilespmem:s11], [sflag:$0x4], $0x4000, s10, s16, $0x38;
	[tilespmem:$0x8400] =	vst v63  }
0xfd: {  	s23 =	sadd.s32 $0x2, s23;
	s21 =	sadd.s32 $0x1000, s21  }
0xfe: {  	_ =	swait.ge [sflag:s17], $0x2000  }
0xff: {  	[sflag:s17] =	ssyncset.done $0x0  }
0x100: {  	[sflag:s17] =	ssyncadd.s32 $0xFFFFE000  }
0x101: {  	_ =	swait.ge [sflag:s17], $0x2000  }
0x102: {  	[sflag:s17] =	ssyncset.done $0x0  }
0x103: {  	s20 =	sadd.s32 $0x1, s20;
	[sflag:s17] =	ssyncadd.s32 $0xFFFFE000  }
0x104: {  	[hbm4b:s4+s16] =	stream.strided.scatter [tilespmem:s12], [sflag:$0x5], $0x4000, s10, s16, $0x38;
	[tilespmem:$0x8400] =	vst v63  }
0x105: {  	p0 =	sne.s32 s20, s5;
	_ =	swait.ge [sflag:s18], $0x4000  }
.Ltmp1:
0x106: {  	[sflag:s18] =	ssyncset.done $0x0;
	(pc) =	sbr.rel @p0 .LBB2_1-.Ltmp1, $4  }
0x107: {  	[sflag:s18] =	ssyncadd.s32 $0xFFFFC000  }
0x108: {  	_ =	swait.ge [sflag:s19], $0x4000  }
0x109: {  	[sflag:s19] =	ssyncset.done $0x0  }
0x10a: {  	[sflag:s19] =	ssyncadd.s32 $0xFFFFC000  }
0x10b: {  	_ =	sfence.sel $0x180000  }
0x10c: {  	[bflag:$0x0] =	sbarrier.arrive $0xFFFF  }
0x10d: {  	p0 =	sne.s32 s2, $0x0;
	_ =	strace $0x90000047  }
0x10e: {  	s0 =	sadd.s32 @!p0 $0x100000, s0;
	[bflag:$0x2] =	sbarrier.arrive $0xFFFF  }
0x10f: {  	[sflag:s0] =	ssyncadd.tile.s32 @!p0 $0x1;
	_ =	shalt  }
.Lfunc_end2:
_tile_overlayer_lowered:
.L_overlay_start_2:
0x110: {  	(tag) =	ssettag $0x2  }
0x111: {  	s0 =	rddreg [dreg:$0x0];
	s2 =	stileid.u32  }
0x112: {  	s1 =	rddreg [dreg:$0x1];
	p0 =	sne.s32 s2, $0x0  }
0x113: {  	s3 =	rddreg [dreg:$0x2];
	[bflag:$0x3] =	sbarrier.arrive $0xFFFF;
	s2 =	simm.s32 @!p0 $0x1C06  }
0x114: {  	[timem:s3], [sflag:s2] =	dma.local @!p0 [hbm:s0], s1  }
0x115: {  	s0 =	simm.s32 @!p0 $0x6  }
0x116: {  	_ =	swait.ge @!p0 [sflag:s0], s1  }
0x117: {  	s1 =	ssub.s32 @!p0 $0x0, s1;
	[sflag:s0] =	ssyncset.done @!p0 $0x0  }
0x118: {  	[sflag:s0] =	ssyncadd.s32 @!p0 s1  }
0x119: {  	[bflag:$0x3] =	sbarrier.arrive $0xFFFF  }
0x11a: {  	_ =	shalt  }

</sc_bundles>
